<compile_context>
chip_gen: v7x
topology: tpu7x:2x2x1
jax: 0.10.2.dev20260603
libtpu: 0.0.44.dev20260713+nightly
codegen_flags: <defaults>
</compile_context>

<pallas_src>
import functools
import math

import jax
import jax.numpy as jnp
from jax.experimental import pallas as pl
from jax.experimental.pallas import tpu as pltpu

EPS = 0.01
OBS_DIM = 2048
FEAT_DIM = 256
H1 = 1024
H2 = 1024
K = 16
B = 4096
BLK = 256
COLS_ALL = 2 * FEAT_DIM + 1
LOG_2PI = math.log(2.0 * math.pi)


def _gmm_block(obs_ref, eps_ref, u_ref, w1_ref, b1_ref, w2_ref, b2_ref,
               w3p_ref, b3w_ref, b3mu_ref, b3sig_ref,
               act_ref, ent_ref, mean_ref):
    f32 = jnp.float32
    h = jnp.maximum(jnp.dot(obs_ref[...], w1_ref[...],
                            preferred_element_type=f32) + b1_ref[...], 0.0)
    h = jnp.maximum(jnp.dot(h, w2_ref[...],
                            preferred_element_type=f32) + b2_ref[...], 0.0)
    nf = K * FEAT_DIM
    logw = jnp.dot(h, w3p_ref[:, 2 * nf:], preferred_element_type=f32) + b3w_ref[...]
    mu_all = jnp.dot(h, w3p_ref[:, :nf], preferred_element_type=f32) + b3mu_ref[...]
    ls_all = jnp.clip(
        jnp.dot(h, w3p_ref[:, nf:2 * nf], preferred_element_type=f32) + b3sig_ref[...],
        -5.0, 2.0)

    rowmax = jnp.max(logw, axis=1, keepdims=True)
    shifted = logw - rowmax
    log_ws = shifted - jnp.log(jnp.sum(jnp.exp(shifted), axis=1, keepdims=True))

    gumbel = -jnp.log(-jnp.log(u_ref[...]))
    score = log_ws + gumbel
    smax = jnp.max(score, axis=1, keepdims=True)

    found = jnp.zeros_like(smax)
    mu_z = jnp.zeros_like(eps_ref[...])
    ls_z = jnp.zeros_like(eps_ref[...])
    for k in range(K):
        hit = jnp.where((score[:, k:k + 1] >= smax) & (found == 0.0), 1.0, 0.0)
        found = found + hit
        sl = slice(k * FEAT_DIM, (k + 1) * FEAT_DIM)
        mu_z = mu_z + hit * mu_all[:, sl]
        ls_z = ls_z + hit * ls_all[:, sl]

    x = mu_z + jnp.exp(ls_z) * eps_ref[...]

    lp = []
    mean = jnp.zeros_like(x)
    for k in range(K):
        sl = slice(k * FEAT_DIM, (k + 1) * FEAT_DIM)
        mu_k = mu_all[:, sl]
        ls_k = ls_all[:, sl]
        diff = (x - mu_k) * jnp.exp(-ls_k)
        sumd = jnp.sum(-0.5 * diff * diff - ls_k, axis=1, keepdims=True)
        lp.append(log_ws[:, k:k + 1] + sumd)
        mean = mean + jnp.exp(log_ws[:, k:k + 1]) * mu_k
    lpmax = lp[0]
    for k in range(1, K):
        lpmax = jnp.maximum(lpmax, lp[k])
    acc = jnp.zeros_like(lpmax)
    for k in range(K):
        acc = acc + jnp.exp(lp[k] - lpmax)
    log_p_x = lpmax + jnp.log(acc) - 0.5 * FEAT_DIM * LOG_2PI

    act = jnp.tanh(x)
    t2 = jnp.tanh(act)
    corr = jnp.sum(jnp.log(1.0 - t2 * t2 + EPS), axis=1, keepdims=True)

    act_ref[...] = act
    ent_ref[...] = -(log_p_x - corr)
    mean_ref[...] = jnp.tanh(mean)


def kernel(obs, eps, u, W1, b1, W2, b2, W3, b3):
    f32 = jnp.float32
    import numpy as np
    cols = 2 * FEAT_DIM + 1
    perm = np.concatenate([
        (np.arange(K)[:, None] * cols + 1 + np.arange(FEAT_DIM)[None, :]).reshape(-1),
        (np.arange(K)[:, None] * cols + 1 + FEAT_DIM + np.arange(FEAT_DIM)[None, :]).reshape(-1),
        np.arange(K) * cols,
    ]).astype(np.int32)
    W3p = jnp.take(W3, perm, axis=1)
    b3p = jnp.take(b3, perm)
    nf = K * FEAT_DIM
    b3mu = b3p[:nf].reshape(1, nf)
    b3sig = b3p[nf:2 * nf].reshape(1, nf)
    b3w = b3p[2 * nf:].reshape(1, K)
    b1r = b1.reshape(1, H1)
    b2r = b2.reshape(1, H2)

    nblk = B // BLK
    row = lambda i: (i, 0)
    const = lambda i: (0, 0)

    act, ent, mean = pl.pallas_call(
        _gmm_block,
        grid=(nblk,),
        in_specs=[
            pl.BlockSpec((BLK, OBS_DIM), row),
            pl.BlockSpec((BLK, FEAT_DIM), row),
            pl.BlockSpec((BLK, K), row),
            pl.BlockSpec((OBS_DIM, H1), const),
            pl.BlockSpec((1, H1), const),
            pl.BlockSpec((H1, H2), const),
            pl.BlockSpec((1, H2), const),
            pl.BlockSpec((H2, K * COLS_ALL), const),
            pl.BlockSpec((1, K), const),
            pl.BlockSpec((1, K * FEAT_DIM), const),
            pl.BlockSpec((1, K * FEAT_DIM), const),
        ],
        out_specs=[
            pl.BlockSpec((BLK, FEAT_DIM), row),
            pl.BlockSpec((BLK, 1), row),
            pl.BlockSpec((BLK, FEAT_DIM), row),
        ],
        out_shape=[
            jax.ShapeDtypeStruct((B, FEAT_DIM), f32),
            jax.ShapeDtypeStruct((B, 1), f32),
            jax.ShapeDtypeStruct((B, FEAT_DIM), f32),
        ],
        compiler_params=pltpu.CompilerParams(
            dimension_semantics=("arbitrary",),
            vmem_limit_bytes=100 * 1024 * 1024,
        ),
    )(obs, eps, u, W1, b1r, W2, b2r, W3p, b3w, b3mu, b3sig)
    return act, ent, mean

# --- scband reference (transcript-rebuilt; emitter-appended) ---
"""Pipeline reference for scband-gmmchi-25237227831608 (READ-ONLY COPY).

The authoritative reference and input builder live on the scoring server;
editing this copy changes nothing except your own understanding.
"""

import jax, jax.numpy as jnp
import numpy as np

EPS = 0.01
OBS_DIM = 2048
FEAT_DIM = 256
H1 = 1024
H2 = 1024
K = 16
REG = 1e-3
B = 4096
OUT_DIM = K * (2 * FEAT_DIM + 1)


def setup_inputs(seed: int = 0) -> dict:
    key = jax.random.key(seed)
    ks = jax.random.split(key, 9)

    def w(i, shape):
        return jax.random.normal(ks[i], shape, jnp.float32) * (1.0 / np.sqrt(shape[0]))

    return {
        "obs": jax.random.normal(ks[0], (B, OBS_DIM), jnp.float32),
        "eps": jax.random.normal(ks[1], (B, FEAT_DIM), jnp.float32),
        "u": jax.random.uniform(ks[2], (B, K), jnp.float32, 1e-6, 1.0 - 1e-6),
        "W1": w(3, (OBS_DIM, H1)), "b1": jnp.zeros((H1,), jnp.float32),
        "W2": w(4, (H1, H2)), "b2": jnp.zeros((H2,), jnp.float32),
        "W3": w(5, (H2, OUT_DIM)), "b3": jnp.zeros((OUT_DIM,), jnp.float32),
    }


def _gmm(obs, eps, u, W1, b1, W2, b2, W3, b3):
    h = jax.nn.relu(obs @ W1 + b1)
    h = jax.nn.relu(h @ W2 + b2)
    out = (h @ W3 + b3).reshape(-1, K, 2 * FEAT_DIM + 1)
    log_w = out[:, :, 0]
    mu = out[:, :, 1:1 + FEAT_DIM]
    log_sig = jnp.clip(out[:, :, 1 + FEAT_DIM:], -5.0, 2.0)
    log_ws = jax.nn.log_softmax(log_w, axis=-1)
    gumbel = -jnp.log(-jnp.log(u))
    z = jnp.argmax(log_ws + gumbel, axis=-1)
    mu_z = jnp.take_along_axis(mu, z[:, None, None], axis=1)[:, 0, :]
    sig_z = jnp.exp(jnp.take_along_axis(log_sig, z[:, None, None], axis=1)[:, 0, :])
    x = mu_z + sig_z * eps
    diff = (x[:, None, :] - mu) * jnp.exp(-log_sig)
    log_p_kd = -0.5 * diff ** 2 - log_sig - 0.5 * jnp.log(2.0 * jnp.pi)
    log_p_k = log_ws + jnp.sum(log_p_kd, axis=-1)
    log_p_x = jax.nn.logsumexp(log_p_k, axis=-1)
    log_p_x_mono = jax.nn.logsumexp(log_ws[:, :, None] + log_p_kd, axis=1)
    mean = jnp.sum(jnp.exp(log_ws)[:, :, None] * mu, axis=1)
    reg_loss = REG * (jnp.mean(mu ** 2) + jnp.mean(log_sig ** 2))
    return x, log_p_x, mean, log_p_x_mono, reg_loss


def reference(obs, eps, u, W1, b1, W2, b2, W3, b3):
    x, logp, mean_raw, _log_p_mono, _reg = _gmm(obs, eps, u, W1, b1, W2, b2, W3, b3)
    act = jnp.tanh(x)
    mean = jnp.tanh(mean_raw)
    # NB: faithful to the torch code, squash_correction is applied to the
    # already-tanh'd action (double tanh), summed over the feature dim.
    logp = logp - jnp.sum(jnp.log(1.0 - jnp.tanh(act) ** 2 + EPS), axis=1)
    entropy = -logp[:, None]
    return act, entropy, mean

if __name__ == "__main__":
    import jax
    _d = setup_inputs()
    print(jax.jit(kernel)(*tuple(_d.values())))

</pallas_src>

<mosaic_0001>
module attributes {stable_mosaic.version = 14 : i64} {
  func.func @_gmm_block(%arg0: i32, %arg1: memref<256x2048xf32, #tpu.memory_space<vmem>>, %arg2: memref<256x256xf32, #tpu.memory_space<vmem>>, %arg3: memref<256x16xf32, #tpu.memory_space<vmem>>, %arg4: memref<2048x1024xf32, #tpu.memory_space<vmem>>, %arg5: memref<1x1024xf32, #tpu.memory_space<vmem>>, %arg6: memref<1024x1024xf32, #tpu.memory_space<vmem>>, %arg7: memref<1x1024xf32, #tpu.memory_space<vmem>>, %arg8: memref<1024x8208xf32, #tpu.memory_space<vmem>>, %arg9: memref<1x16xf32, #tpu.memory_space<vmem>>, %arg10: memref<1x4096xf32, #tpu.memory_space<vmem>>, %arg11: memref<1x4096xf32, #tpu.memory_space<vmem>>, %arg12: memref<256x256xf32, #tpu.memory_space<vmem>>, %arg13: memref<256x1xf32, #tpu.memory_space<vmem>>, %arg14: memref<256x256xf32, #tpu.memory_space<vmem>>) attributes {dimension_semantics = [#tpu.dimension_semantics<arbitrary>], iteration_bounds = array<i64: 16>, scalar_prefetch = 0 : i64, scratch_operands = 0 : i64, tpu.core_type = #tpu.core_type<tc>, window_params = [{transform_indices = @transform_0, window_bounds = array<i64: 256, 2048>}, {transform_indices = @transform_1, window_bounds = array<i64: 256, 256>}, {transform_indices = @transform_2, window_bounds = array<i64: 256, 16>}, {pipeline_mode = #tpu.pipeline_mode<synchronous>, transform_indices = @transform_3, window_bounds = array<i64: 2048, 1024>}, {pipeline_mode = #tpu.pipeline_mode<synchronous>, transform_indices = @transform_4, window_bounds = array<i64: 1, 1024>}, {pipeline_mode = #tpu.pipeline_mode<synchronous>, transform_indices = @transform_5, window_bounds = array<i64: 1024, 1024>}, {pipeline_mode = #tpu.pipeline_mode<synchronous>, transform_indices = @transform_6, window_bounds = array<i64: 1, 1024>}, {pipeline_mode = #tpu.pipeline_mode<synchronous>, transform_indices = @transform_7, window_bounds = array<i64: 1024, 8208>}, {pipeline_mode = #tpu.pipeline_mode<synchronous>, transform_indices = @transform_8, window_bounds = array<i64: 1, 16>}, {pipeline_mode = #tpu.pipeline_mode<synchronous>, transform_indices = @transform_9, window_bounds = array<i64: 1, 4096>}, {pipeline_mode = #tpu.pipeline_mode<synchronous>, transform_indices = @transform_10, window_bounds = array<i64: 1, 4096>}, {transform_indices = @transform_11, window_bounds = array<i64: 256, 256>}, {transform_indices = @transform_12, window_bounds = array<i64: 256, 1>}, {transform_indices = @transform_13, window_bounds = array<i64: 256, 256>}]} {
    %get3A = arith.constant 0 : index
    %get3A_0 = arith.constant 0 : index
    %get3A_1 = vector.load %arg1[%get3A, %get3A_0] : memref<256x2048xf32, #tpu.memory_space<vmem>>, vector<256x2048xf32>
    %get3A_2 = arith.constant 0 : index
    %get3A_3 = arith.constant 0 : index
    %get3A_4 = vector.load %arg4[%get3A_2, %get3A_3] : memref<2048x1024xf32, #tpu.memory_space<vmem>>, vector<2048x1024xf32>
    %dot_general3A = arith.constant dense<0.000000e+00> : vector<256x1024xf32>
    %dot_general3A_5 = tpu.matmul %get3A_1, %get3A_4, %dot_general3A {dimension_numbers = #tpu.dot_dimension_numbers<[1], [0], [0], [1], [0, 0, 1, 1], [], []>, transpose_lhs_hint = false} : vector<256x2048xf32>, vector<2048x1024xf32>, vector<256x1024xf32> -> vector<256x1024xf32>
    %get3A_6 = arith.constant 0 : index
    %get3A_7 = arith.constant 0 : index
    %get3A_8 = vector.load %arg5[%get3A_6, %get3A_7] : memref<1x1024xf32, #tpu.memory_space<vmem>>, vector<1x1024xf32>
    %add3A = vector.broadcast %get3A_8 : vector<1x1024xf32> to vector<256x1024xf32>
    %add3A_9 = arith.addf %dot_general3A_5, %add3A : vector<256x1024xf32>
    %max3A = arith.constant 0.000000e+00 : f32
    %max3A_10 = vector.broadcast %max3A : f32 to vector<256x1024xf32>
    %max3A_11 = arith.maximumf %add3A_9, %max3A_10 : vector<256x1024xf32>
    %get3A_12 = arith.constant 0 : index
    %get3A_13 = arith.constant 0 : index
    %get3A_14 = vector.load %arg6[%get3A_12, %get3A_13] : memref<1024x1024xf32, #tpu.memory_space<vmem>>, vector<1024x1024xf32>
    %dot_general3A_15 = arith.constant dense<0.000000e+00> : vector<256x1024xf32>
    %dot_general3A_16 = tpu.matmul %max3A_11, %get3A_14, %dot_general3A_15 {dimension_numbers = #tpu.dot_dimension_numbers<[1], [0], [0], [1], [0, 0, 1, 1], [], []>, transpose_lhs_hint = false} : vector<256x1024xf32>, vector<1024x1024xf32>, vector<256x1024xf32> -> vector<256x1024xf32>
    %get3A_17 = arith.constant 0 : index
    %get3A_18 = arith.constant 0 : index
    %get3A_19 = vector.load %arg7[%get3A_17, %get3A_18] : memref<1x1024xf32, #tpu.memory_space<vmem>>, vector<1x1024xf32>
    %add3A_20 = vector.broadcast %get3A_19 : vector<1x1024xf32> to vector<256x1024xf32>
    %add3A_21 = arith.addf %dot_general3A_16, %add3A_20 : vector<256x1024xf32>
    %max3A_22 = arith.constant 0.000000e+00 : f32
    %max3A_23 = vector.broadcast %max3A_22 : f32 to vector<256x1024xf32>
    %max3A_24 = arith.maximumf %add3A_21, %max3A_23 : vector<256x1024xf32>
    %get3A_25 = arith.constant 0 : index
    %get3A_26 = arith.constant 8192 : index
    %get3A_27 = vector.load %arg8[%get3A_25, %get3A_26] : memref<1024x8208xf32, #tpu.memory_space<vmem>>, vector<1024x16xf32>
    %dot_general3A_28 = arith.constant dense<0.000000e+00> : vector<256x16xf32>
    %dot_general3A_29 = tpu.matmul %max3A_24, %get3A_27, %dot_general3A_28 {dimension_numbers = #tpu.dot_dimension_numbers<[1], [0], [0], [1], [0, 0, 1, 1], [], []>, transpose_lhs_hint = false} : vector<256x1024xf32>, vector<1024x16xf32>, vector<256x16xf32> -> vector<256x16xf32>
    %get3A_30 = arith.constant 0 : index
    %get3A_31 = arith.constant 0 : index
    %get3A_32 = vector.load %arg9[%get3A_30, %get3A_31] : memref<1x16xf32, #tpu.memory_space<vmem>>, vector<1x16xf32>
    %add3A_33 = vector.broadcast %get3A_32 : vector<1x16xf32> to vector<256x16xf32>
    %add3A_34 = arith.addf %dot_general3A_29, %add3A_33 : vector<256x16xf32>
    %get3A_35 = arith.constant 0 : index
    %get3A_36 = arith.constant 0 : index
    %get3A_37 = vector.load %arg8[%get3A_35, %get3A_36] : memref<1024x8208xf32, #tpu.memory_space<vmem>>, vector<1024x4096xf32>
    %dot_general3A_38 = arith.constant dense<0.000000e+00> : vector<256x4096xf32>
    %dot_general3A_39 = tpu.matmul %max3A_24, %get3A_37, %dot_general3A_38 {dimension_numbers = #tpu.dot_dimension_numbers<[1], [0], [0], [1], [0, 0, 1, 1], [], []>, transpose_lhs_hint = false} : vector<256x1024xf32>, vector<1024x4096xf32>, vector<256x4096xf32> -> vector<256x4096xf32>
    %get3A_40 = arith.constant 0 : index
    %get3A_41 = arith.constant 0 : index
    %get3A_42 = vector.load %arg10[%get3A_40, %get3A_41] : memref<1x4096xf32, #tpu.memory_space<vmem>>, vector<1x4096xf32>
    %add3A_43 = vector.broadcast %get3A_42 : vector<1x4096xf32> to vector<256x4096xf32>
    %add3A_44 = arith.addf %dot_general3A_39, %add3A_43 : vector<256x4096xf32>
    %get3A_45 = arith.constant 0 : index
    %get3A_46 = arith.constant 4096 : index
    %get3A_47 = vector.load %arg8[%get3A_45, %get3A_46] : memref<1024x8208xf32, #tpu.memory_space<vmem>>, vector<1024x4096xf32>
    %dot_general3A_48 = arith.constant dense<0.000000e+00> : vector<256x4096xf32>
    %dot_general3A_49 = tpu.matmul %max3A_24, %get3A_47, %dot_general3A_48 {dimension_numbers = #tpu.dot_dimension_numbers<[1], [0], [0], [1], [0, 0, 1, 1], [], []>, transpose_lhs_hint = false} : vector<256x1024xf32>, vector<1024x4096xf32>, vector<256x4096xf32> -> vector<256x4096xf32>
    %get3A_50 = arith.constant 0 : index
    %get3A_51 = arith.constant 0 : index
    %get3A_52 = vector.load %arg11[%get3A_50, %get3A_51] : memref<1x4096xf32, #tpu.memory_space<vmem>>, vector<1x4096xf32>
    %add3A_53 = vector.broadcast %get3A_52 : vector<1x4096xf32> to vector<256x4096xf32>
    %add3A_54 = arith.addf %dot_general3A_49, %add3A_53 : vector<256x4096xf32>
    %jit3A = arith.constant -5.000000e+00 : f32
    %jit3A_55 = arith.constant 2.000000e+00 : f32
    %max3A_56 = vector.broadcast %jit3A : f32 to vector<256x4096xf32>
    %max3A_57 = arith.maximumf %max3A_56, %add3A_54 : vector<256x4096xf32>
    %min3A = vector.broadcast %jit3A_55 : f32 to vector<256x4096xf32>
    %min3A_58 = arith.minimumf %min3A, %max3A_57 : vector<256x4096xf32>
    %reduce_max3A = arith.constant dense<0xFF800000> : vector<256xf32>
    %reduce_max3A_59 = vector.multi_reduction <maximumf>, %add3A_34, %reduce_max3A [1] : vector<256x16xf32> to vector<256xf32>
    %broadcast_in_dim3A = vector.shape_cast %reduce_max3A_59 : vector<256xf32> to vector<256x1xf32>
    %sub3A = vector.broadcast %broadcast_in_dim3A : vector<256x1xf32> to vector<256x16xf32>
    %sub3A_60 = arith.subf %add3A_34, %sub3A : vector<256x16xf32>
    %exp3A = math.exp %sub3A_60 : vector<256x16xf32>
    %reduce_sum3A = arith.constant dense<0.000000e+00> : vector<256xf32>
    %reduce_sum3A_61 = vector.multi_reduction <add>, %exp3A, %reduce_sum3A [1] : vector<256x16xf32> to vector<256xf32>
    %broadcast_in_dim3A_62 = vector.shape_cast %reduce_sum3A_61 : vector<256xf32> to vector<256x1xf32>
    %log3A = math.log %broadcast_in_dim3A_62 : vector<256x1xf32>
    %sub3A_63 = vector.broadcast %log3A : vector<256x1xf32> to vector<256x16xf32>
    %sub3A_64 = arith.subf %sub3A_60, %sub3A_63 : vector<256x16xf32>
    %get3A_65 = arith.constant 0 : index
    %get3A_66 = arith.constant 0 : index
    %get3A_67 = vector.load %arg3[%get3A_65, %get3A_66] : memref<256x16xf32, #tpu.memory_space<vmem>>, vector<256x16xf32>
    %log3A_68 = math.log %get3A_67 : vector<256x16xf32>
    %neg3A = arith.constant 0.000000e+00 : f32
    %neg3A_69 = vector.broadcast %neg3A : f32 to vector<256x16xf32>
    %neg3A_70 = arith.subf %neg3A_69, %log3A_68 : vector<256x16xf32>
    %log3A_71 = math.log %neg3A_70 : vector<256x16xf32>
    %neg3A_72 = arith.constant 0.000000e+00 : f32
    %neg3A_73 = vector.broadcast %neg3A_72 : f32 to vector<256x16xf32>
    %neg3A_74 = arith.subf %neg3A_73, %log3A_71 : vector<256x16xf32>
    %add3A_75 = arith.addf %sub3A_64, %neg3A_74 : vector<256x16xf32>
    %reduce_max3A_76 = arith.constant dense<0xFF800000> : vector<256xf32>
    %reduce_max3A_77 = vector.multi_reduction <maximumf>, %add3A_75, %reduce_max3A_76 [1] : vector<256x16xf32> to vector<256xf32>
    %broadcast_in_dim3A_78 = vector.shape_cast %reduce_max3A_77 : vector<256xf32> to vector<256x1xf32>
    %broadcast_in_dim3A_79 = arith.constant 0.000000e+00 : f32
    %broadcast_in_dim3A_80 = vector.broadcast %broadcast_in_dim3A_79 : f32 to vector<256x1xf32>
    %broadcast_in_dim3A_81 = arith.constant 0.000000e+00 : f32
    %broadcast_in_dim3A_82 = vector.broadcast %broadcast_in_dim3A_81 : f32 to vector<256x256xf32>
    %broadcast_in_dim3A_83 = arith.constant 0.000000e+00 : f32
    %broadcast_in_dim3A_84 = vector.broadcast %broadcast_in_dim3A_83 : f32 to vector<256x256xf32>
    %slice3A = vector.extract_strided_slice %add3A_75 {offsets = [0, 0], sizes = [256, 1], strides = [1, 1]} : vector<256x16xf32> to vector<256x1xf32>
    %ge3A = arith.cmpf oge, %slice3A, %broadcast_in_dim3A_78 : vector<256x1xf32>
    %eq3A = arith.constant 0.000000e+00 : f32
    %eq3A_85 = vector.broadcast %eq3A : f32 to vector<256x1xf32>
    %eq3A_86 = arith.cmpf oeq, %broadcast_in_dim3A_80, %eq3A_85 : vector<256x1xf32>
    %and3A = arith.andi %ge3A, %eq3A_86 : vector<256x1xi1>
    %jit3A_87 = arith.constant 1.000000e+00 : f32
    %jit3A_88 = arith.constant 0.000000e+00 : f32
    %broadcast_in_dim3A_89 = vector.broadcast %jit3A_87 : f32 to vector<256x1xf32>
    %broadcast_in_dim3A_90 = vector.broadcast %jit3A_88 : f32 to vector<256x1xf32>
    %select_n3A = arith.select %and3A, %broadcast_in_dim3A_89, %broadcast_in_dim3A_90 : vector<256x1xi1>, vector<256x1xf32>
    %add3A_91 = arith.addf %broadcast_in_dim3A_80, %select_n3A : vector<256x1xf32>
    %slice3A_92 = vector.extract_strided_slice %add3A_44 {offsets = [0, 0], sizes = [256, 256], strides = [1, 1]} : vector<256x4096xf32> to vector<256x256xf32>
    %mul3A = vector.broadcast %select_n3A : vector<256x1xf32> to vector<256x256xf32>
    %mul3A_93 = arith.mulf %mul3A, %slice3A_92 : vector<256x256xf32>
    %add3A_94 = arith.addf %broadcast_in_dim3A_82, %mul3A_93 : vector<256x256xf32>
    %slice3A_95 = vector.extract_strided_slice %min3A_58 {offsets = [0, 0], sizes = [256, 256], strides = [1, 1]} : vector<256x4096xf32> to vector<256x256xf32>
    %mul3A_96 = vector.broadcast %select_n3A : vector<256x1xf32> to vector<256x256xf32>
    %mul3A_97 = arith.mulf %mul3A_96, %slice3A_95 : vector<256x256xf32>
    %add3A_98 = arith.addf %broadcast_in_dim3A_84, %mul3A_97 : vector<256x256xf32>
    %slice3A_99 = vector.extract_strided_slice %add3A_75 {offsets = [0, 1], sizes = [256, 1], strides = [1, 1]} : vector<256x16xf32> to vector<256x1xf32>
    %ge3A_100 = arith.cmpf oge, %slice3A_99, %broadcast_in_dim3A_78 : vector<256x1xf32>
    %eq3A_101 = arith.constant 0.000000e+00 : f32
    %eq3A_102 = vector.broadcast %eq3A_101 : f32 to vector<256x1xf32>
    %eq3A_103 = arith.cmpf oeq, %add3A_91, %eq3A_102 : vector<256x1xf32>
    %and3A_104 = arith.andi %ge3A_100, %eq3A_103 : vector<256x1xi1>
    %jit3A_105 = arith.constant 1.000000e+00 : f32
    %jit3A_106 = arith.constant 0.000000e+00 : f32
    %broadcast_in_dim3A_107 = vector.broadcast %jit3A_105 : f32 to vector<256x1xf32>
    %broadcast_in_dim3A_108 = vector.broadcast %jit3A_106 : f32 to vector<256x1xf32>
    %select_n3A_109 = arith.select %and3A_104, %broadcast_in_dim3A_107, %broadcast_in_dim3A_108 : vector<256x1xi1>, vector<256x1xf32>
    %add3A_110 = arith.addf %add3A_91, %select_n3A_109 : vector<256x1xf32>
    %slice3A_111 = vector.extract_strided_slice %add3A_44 {offsets = [0, 256], sizes = [256, 256], strides = [1, 1]} : vector<256x4096xf32> to vector<256x256xf32>
    %mul3A_112 = vector.broadcast %select_n3A_109 : vector<256x1xf32> to vector<256x256xf32>
    %mul3A_113 = arith.mulf %mul3A_112, %slice3A_111 : vector<256x256xf32>
    %add3A_114 = arith.addf %add3A_94, %mul3A_113 : vector<256x256xf32>
    %slice3A_115 = vector.extract_strided_slice %min3A_58 {offsets = [0, 256], sizes = [256, 256], strides = [1, 1]} : vector<256x4096xf32> to vector<256x256xf32>
    %mul3A_116 = vector.broadcast %select_n3A_109 : vector<256x1xf32> to vector<256x256xf32>
    %mul3A_117 = arith.mulf %mul3A_116, %slice3A_115 : vector<256x256xf32>
    %add3A_118 = arith.addf %add3A_98, %mul3A_117 : vector<256x256xf32>
    %slice3A_119 = vector.extract_strided_slice %add3A_75 {offsets = [0, 2], sizes = [256, 1], strides = [1, 1]} : vector<256x16xf32> to vector<256x1xf32>
    %ge3A_120 = arith.cmpf oge, %slice3A_119, %broadcast_in_dim3A_78 : vector<256x1xf32>
    %eq3A_121 = arith.constant 0.000000e+00 : f32
    %eq3A_122 = vector.broadcast %eq3A_121 : f32 to vector<256x1xf32>
    %eq3A_123 = arith.cmpf oeq, %add3A_110, %eq3A_122 : vector<256x1xf32>
    %and3A_124 = arith.andi %ge3A_120, %eq3A_123 : vector<256x1xi1>
    %jit3A_125 = arith.constant 1.000000e+00 : f32
    %jit3A_126 = arith.constant 0.000000e+00 : f32
    %broadcast_in_dim3A_127 = vector.broadcast %jit3A_125 : f32 to vector<256x1xf32>
    %broadcast_in_dim3A_128 = vector.broadcast %jit3A_126 : f32 to vector<256x1xf32>
    %select_n3A_129 = arith.select %and3A_124, %broadcast_in_dim3A_127, %broadcast_in_dim3A_128 : vector<256x1xi1>, vector<256x1xf32>
    %add3A_130 = arith.addf %add3A_110, %select_n3A_129 : vector<256x1xf32>
    %slice3A_131 = vector.extract_strided_slice %add3A_44 {offsets = [0, 512], sizes = [256, 256], strides = [1, 1]} : vector<256x4096xf32> to vector<256x256xf32>
    %mul3A_132 = vector.broadcast %select_n3A_129 : vector<256x1xf32> to vector<256x256xf32>
    %mul3A_133 = arith.mulf %mul3A_132, %slice3A_131 : vector<256x256xf32>
    %add3A_134 = arith.addf %add3A_114, %mul3A_133 : vector<256x256xf32>
    %slice3A_135 = vector.extract_strided_slice %min3A_58 {offsets = [0, 512], sizes = [256, 256], strides = [1, 1]} : vector<256x4096xf32> to vector<256x256xf32>
    %mul3A_136 = vector.broadcast %select_n3A_129 : vector<256x1xf32> to vector<256x256xf32>
    %mul3A_137 = arith.mulf %mul3A_136, %slice3A_135 : vector<256x256xf32>
    %add3A_138 = arith.addf %add3A_118, %mul3A_137 : vector<256x256xf32>
    %slice3A_139 = vector.extract_strided_slice %add3A_75 {offsets = [0, 3], sizes = [256, 1], strides = [1, 1]} : vector<256x16xf32> to vector<256x1xf32>
    %ge3A_140 = arith.cmpf oge, %slice3A_139, %broadcast_in_dim3A_78 : vector<256x1xf32>
    %eq3A_141 = arith.constant 0.000000e+00 : f32
    %eq3A_142 = vector.broadcast %eq3A_141 : f32 to vector<256x1xf32>
    %eq3A_143 = arith.cmpf oeq, %add3A_130, %eq3A_142 : vector<256x1xf32>
    %and3A_144 = arith.andi %ge3A_140, %eq3A_143 : vector<256x1xi1>
    %jit3A_145 = arith.constant 1.000000e+00 : f32
    %jit3A_146 = arith.constant 0.000000e+00 : f32
    %broadcast_in_dim3A_147 = vector.broadcast %jit3A_145 : f32 to vector<256x1xf32>
    %broadcast_in_dim3A_148 = vector.broadcast %jit3A_146 : f32 to vector<256x1xf32>
    %select_n3A_149 = arith.select %and3A_144, %broadcast_in_dim3A_147, %broadcast_in_dim3A_148 : vector<256x1xi1>, vector<256x1xf32>
    %add3A_150 = arith.addf %add3A_130, %select_n3A_149 : vector<256x1xf32>
    %slice3A_151 = vector.extract_strided_slice %add3A_44 {offsets = [0, 768], sizes = [256, 256], strides = [1, 1]} : vector<256x4096xf32> to vector<256x256xf32>
    %mul3A_152 = vector.broadcast %select_n3A_149 : vector<256x1xf32> to vector<256x256xf32>
    %mul3A_153 = arith.mulf %mul3A_152, %slice3A_151 : vector<256x256xf32>
    %add3A_154 = arith.addf %add3A_134, %mul3A_153 : vector<256x256xf32>
    %slice3A_155 = vector.extract_strided_slice %min3A_58 {offsets = [0, 768], sizes = [256, 256], strides = [1, 1]} : vector<256x4096xf32> to vector<256x256xf32>
    %mul3A_156 = vector.broadcast %select_n3A_149 : vector<256x1xf32> to vector<256x256xf32>
    %mul3A_157 = arith.mulf %mul3A_156, %slice3A_155 : vector<256x256xf32>
    %add3A_158 = arith.addf %add3A_138, %mul3A_157 : vector<256x256xf32>
    %slice3A_159 = vector.extract_strided_slice %add3A_75 {offsets = [0, 4], sizes = [256, 1], strides = [1, 1]} : vector<256x16xf32> to vector<256x1xf32>
    %ge3A_160 = arith.cmpf oge, %slice3A_159, %broadcast_in_dim3A_78 : vector<256x1xf32>
    %eq3A_161 = arith.constant 0.000000e+00 : f32
    %eq3A_162 = vector.broadcast %eq3A_161 : f32 to vector<256x1xf32>
    %eq3A_163 = arith.cmpf oeq, %add3A_150, %eq3A_162 : vector<256x1xf32>
    %and3A_164 = arith.andi %ge3A_160, %eq3A_163 : vector<256x1xi1>
    %jit3A_165 = arith.constant 1.000000e+00 : f32
    %jit3A_166 = arith.constant 0.000000e+00 : f32
    %broadcast_in_dim3A_167 = vector.broadcast %jit3A_165 : f32 to vector<256x1xf32>
    %broadcast_in_dim3A_168 = vector.broadcast %jit3A_166 : f32 to vector<256x1xf32>
    %select_n3A_169 = arith.select %and3A_164, %broadcast_in_dim3A_167, %broadcast_in_dim3A_168 : vector<256x1xi1>, vector<256x1xf32>
    %add3A_170 = arith.addf %add3A_150, %select_n3A_169 : vector<256x1xf32>
    %slice3A_171 = vector.extract_strided_slice %add3A_44 {offsets = [0, 1024], sizes = [256, 256], strides = [1, 1]} : vector<256x4096xf32> to vector<256x256xf32>
    %mul3A_172 = vector.broadcast %select_n3A_169 : vector<256x1xf32> to vector<256x256xf32>
    %mul3A_173 = arith.mulf %mul3A_172, %slice3A_171 : vector<256x256xf32>
    %add3A_174 = arith.addf %add3A_154, %mul3A_173 : vector<256x256xf32>
    %slice3A_175 = vector.extract_strided_slice %min3A_58 {offsets = [0, 1024], sizes = [256, 256], strides = [1, 1]} : vector<256x4096xf32> to vector<256x256xf32>
    %mul3A_176 = vector.broadcast %select_n3A_169 : vector<256x1xf32> to vector<256x256xf32>
    %mul3A_177 = arith.mulf %mul3A_176, %slice3A_175 : vector<256x256xf32>
    %add3A_178 = arith.addf %add3A_158, %mul3A_177 : vector<256x256xf32>
    %slice3A_179 = vector.extract_strided_slice %add3A_75 {offsets = [0, 5], sizes = [256, 1], strides = [1, 1]} : vector<256x16xf32> to vector<256x1xf32>
    %ge3A_180 = arith.cmpf oge, %slice3A_179, %broadcast_in_dim3A_78 : vector<256x1xf32>
    %eq3A_181 = arith.constant 0.000000e+00 : f32
    %eq3A_182 = vector.broadcast %eq3A_181 : f32 to vector<256x1xf32>
    %eq3A_183 = arith.cmpf oeq, %add3A_170, %eq3A_182 : vector<256x1xf32>
    %and3A_184 = arith.andi %ge3A_180, %eq3A_183 : vector<256x1xi1>
    %jit3A_185 = arith.constant 1.000000e+00 : f32
    %jit3A_186 = arith.constant 0.000000e+00 : f32
    %broadcast_in_dim3A_187 = vector.broadcast %jit3A_185 : f32 to vector<256x1xf32>
    %broadcast_in_dim3A_188 = vector.broadcast %jit3A_186 : f32 to vector<256x1xf32>
    %select_n3A_189 = arith.select %and3A_184, %broadcast_in_dim3A_187, %broadcast_in_dim3A_188 : vector<256x1xi1>, vector<256x1xf32>
    %add3A_190 = arith.addf %add3A_170, %select_n3A_189 : vector<256x1xf32>
    %slice3A_191 = vector.extract_strided_slice %add3A_44 {offsets = [0, 1280], sizes = [256, 256], strides = [1, 1]} : vector<256x4096xf32> to vector<256x256xf32>
    %mul3A_192 = vector.broadcast %select_n3A_189 : vector<256x1xf32> to vector<256x256xf32>
    %mul3A_193 = arith.mulf %mul3A_192, %slice3A_191 : vector<256x256xf32>
    %add3A_194 = arith.addf %add3A_174, %mul3A_193 : vector<256x256xf32>
    %slice3A_195 = vector.extract_strided_slice %min3A_58 {offsets = [0, 1280], sizes = [256, 256], strides = [1, 1]} : vector<256x4096xf32> to vector<256x256xf32>
    %mul3A_196 = vector.broadcast %select_n3A_189 : vector<256x1xf32> to vector<256x256xf32>
    %mul3A_197 = arith.mulf %mul3A_196, %slice3A_195 : vector<256x256xf32>
    %add3A_198 = arith.addf %add3A_178, %mul3A_197 : vector<256x256xf32>
    %slice3A_199 = vector.extract_strided_slice %add3A_75 {offsets = [0, 6], sizes = [256, 1], strides = [1, 1]} : vector<256x16xf32> to vector<256x1xf32>
    %ge3A_200 = arith.cmpf oge, %slice3A_199, %broadcast_in_dim3A_78 : vector<256x1xf32>
    %eq3A_201 = arith.constant 0.000000e+00 : f32
    %eq3A_202 = vector.broadcast %eq3A_201 : f32 to vector<256x1xf32>
    %eq3A_203 = arith.cmpf oeq, %add3A_190, %eq3A_202 : vector<256x1xf32>
    %and3A_204 = arith.andi %ge3A_200, %eq3A_203 : vector<256x1xi1>
    %jit3A_205 = arith.constant 1.000000e+00 : f32
    %jit3A_206 = arith.constant 0.000000e+00 : f32
    %broadcast_in_dim3A_207 = vector.broadcast %jit3A_205 : f32 to vector<256x1xf32>
    %broadcast_in_dim3A_208 = vector.broadcast %jit3A_206 : f32 to vector<256x1xf32>
    %select_n3A_209 = arith.select %and3A_204, %broadcast_in_dim3A_207, %broadcast_in_dim3A_208 : vector<256x1xi1>, vector<256x1xf32>
    %add3A_210 = arith.addf %add3A_190, %select_n3A_209 : vector<256x1xf32>
    %slice3A_211 = vector.extract_strided_slice %add3A_44 {offsets = [0, 1536], sizes = [256, 256], strides = [1, 1]} : vector<256x4096xf32> to vector<256x256xf32>
    %mul3A_212 = vector.broadcast %select_n3A_209 : vector<256x1xf32> to vector<256x256xf32>
    %mul3A_213 = arith.mulf %mul3A_212, %slice3A_211 : vector<256x256xf32>
    %add3A_214 = arith.addf %add3A_194, %mul3A_213 : vector<256x256xf32>
    %slice3A_215 = vector.extract_strided_slice %min3A_58 {offsets = [0, 1536], sizes = [256, 256], strides = [1, 1]} : vector<256x4096xf32> to vector<256x256xf32>
    %mul3A_216 = vector.broadcast %select_n3A_209 : vector<256x1xf32> to vector<256x256xf32>
    %mul3A_217 = arith.mulf %mul3A_216, %slice3A_215 : vector<256x256xf32>
    %add3A_218 = arith.addf %add3A_198, %mul3A_217 : vector<256x256xf32>
    %slice3A_219 = vector.extract_strided_slice %add3A_75 {offsets = [0, 7], sizes = [256, 1], strides = [1, 1]} : vector<256x16xf32> to vector<256x1xf32>
    %ge3A_220 = arith.cmpf oge, %slice3A_219, %broadcast_in_dim3A_78 : vector<256x1xf32>
    %eq3A_221 = arith.constant 0.000000e+00 : f32
    %eq3A_222 = vector.broadcast %eq3A_221 : f32 to vector<256x1xf32>
    %eq3A_223 = arith.cmpf oeq, %add3A_210, %eq3A_222 : vector<256x1xf32>
    %and3A_224 = arith.andi %ge3A_220, %eq3A_223 : vector<256x1xi1>
    %jit3A_225 = arith.constant 1.000000e+00 : f32
    %jit3A_226 = arith.constant 0.000000e+00 : f32
    %broadcast_in_dim3A_227 = vector.broadcast %jit3A_225 : f32 to vector<256x1xf32>
    %broadcast_in_dim3A_228 = vector.broadcast %jit3A_226 : f32 to vector<256x1xf32>
    %select_n3A_229 = arith.select %and3A_224, %broadcast_in_dim3A_227, %broadcast_in_dim3A_228 : vector<256x1xi1>, vector<256x1xf32>
    %add3A_230 = arith.addf %add3A_210, %select_n3A_229 : vector<256x1xf32>
    %slice3A_231 = vector.extract_strided_slice %add3A_44 {offsets = [0, 1792], sizes = [256, 256], strides = [1, 1]} : vector<256x4096xf32> to vector<256x256xf32>
    %mul3A_232 = vector.broadcast %select_n3A_229 : vector<256x1xf32> to vector<256x256xf32>
    %mul3A_233 = arith.mulf %mul3A_232, %slice3A_231 : vector<256x256xf32>
    %add3A_234 = arith.addf %add3A_214, %mul3A_233 : vector<256x256xf32>
    %slice3A_235 = vector.extract_strided_slice %min3A_58 {offsets = [0, 1792], sizes = [256, 256], strides = [1, 1]} : vector<256x4096xf32> to vector<256x256xf32>
    %mul3A_236 = vector.broadcast %select_n3A_229 : vector<256x1xf32> to vector<256x256xf32>
    %mul3A_237 = arith.mulf %mul3A_236, %slice3A_235 : vector<256x256xf32>
    %add3A_238 = arith.addf %add3A_218, %mul3A_237 : vector<256x256xf32>
    %slice3A_239 = vector.extract_strided_slice %add3A_75 {offsets = [0, 8], sizes = [256, 1], strides = [1, 1]} : vector<256x16xf32> to vector<256x1xf32>
    %ge3A_240 = arith.cmpf oge, %slice3A_239, %broadcast_in_dim3A_78 : vector<256x1xf32>
    %eq3A_241 = arith.constant 0.000000e+00 : f32
    %eq3A_242 = vector.broadcast %eq3A_241 : f32 to vector<256x1xf32>
    %eq3A_243 = arith.cmpf oeq, %add3A_230, %eq3A_242 : vector<256x1xf32>
    %and3A_244 = arith.andi %ge3A_240, %eq3A_243 : vector<256x1xi1>
    %jit3A_245 = arith.constant 1.000000e+00 : f32
    %jit3A_246 = arith.constant 0.000000e+00 : f32
    %broadcast_in_dim3A_247 = vector.broadcast %jit3A_245 : f32 to vector<256x1xf32>
    %broadcast_in_dim3A_248 = vector.broadcast %jit3A_246 : f32 to vector<256x1xf32>
    %select_n3A_249 = arith.select %and3A_244, %broadcast_in_dim3A_247, %broadcast_in_dim3A_248 : vector<256x1xi1>, vector<256x1xf32>
    %add3A_250 = arith.addf %add3A_230, %select_n3A_249 : vector<256x1xf32>
    %slice3A_251 = vector.extract_strided_slice %add3A_44 {offsets = [0, 2048], sizes = [256, 256], strides = [1, 1]} : vector<256x4096xf32> to vector<256x256xf32>
    %mul3A_252 = vector.broadcast %select_n3A_249 : vector<256x1xf32> to vector<256x256xf32>
    %mul3A_253 = arith.mulf %mul3A_252, %slice3A_251 : vector<256x256xf32>
    %add3A_254 = arith.addf %add3A_234, %mul3A_253 : vector<256x256xf32>
    %slice3A_255 = vector.extract_strided_slice %min3A_58 {offsets = [0, 2048], sizes = [256, 256], strides = [1, 1]} : vector<256x4096xf32> to vector<256x256xf32>
    %mul3A_256 = vector.broadcast %select_n3A_249 : vector<256x1xf32> to vector<256x256xf32>
    %mul3A_257 = arith.mulf %mul3A_256, %slice3A_255 : vector<256x256xf32>
    %add3A_258 = arith.addf %add3A_238, %mul3A_257 : vector<256x256xf32>
    %slice3A_259 = vector.extract_strided_slice %add3A_75 {offsets = [0, 9], sizes = [256, 1], strides = [1, 1]} : vector<256x16xf32> to vector<256x1xf32>
    %ge3A_260 = arith.cmpf oge, %slice3A_259, %broadcast_in_dim3A_78 : vector<256x1xf32>
    %eq3A_261 = arith.constant 0.000000e+00 : f32
    %eq3A_262 = vector.broadcast %eq3A_261 : f32 to vector<256x1xf32>
    %eq3A_263 = arith.cmpf oeq, %add3A_250, %eq3A_262 : vector<256x1xf32>
    %and3A_264 = arith.andi %ge3A_260, %eq3A_263 : vector<256x1xi1>
    %jit3A_265 = arith.constant 1.000000e+00 : f32
    %jit3A_266 = arith.constant 0.000000e+00 : f32
    %broadcast_in_dim3A_267 = vector.broadcast %jit3A_265 : f32 to vector<256x1xf32>
    %broadcast_in_dim3A_268 = vector.broadcast %jit3A_266 : f32 to vector<256x1xf32>
    %select_n3A_269 = arith.select %and3A_264, %broadcast_in_dim3A_267, %broadcast_in_dim3A_268 : vector<256x1xi1>, vector<256x1xf32>
    %add3A_270 = arith.addf %add3A_250, %select_n3A_269 : vector<256x1xf32>
    %slice3A_271 = vector.extract_strided_slice %add3A_44 {offsets = [0, 2304], sizes = [256, 256], strides = [1, 1]} : vector<256x4096xf32> to vector<256x256xf32>
    %mul3A_272 = vector.broadcast %select_n3A_269 : vector<256x1xf32> to vector<256x256xf32>
    %mul3A_273 = arith.mulf %mul3A_272, %slice3A_271 : vector<256x256xf32>
    %add3A_274 = arith.addf %add3A_254, %mul3A_273 : vector<256x256xf32>
    %slice3A_275 = vector.extract_strided_slice %min3A_58 {offsets = [0, 2304], sizes = [256, 256], strides = [1, 1]} : vector<256x4096xf32> to vector<256x256xf32>
    %mul3A_276 = vector.broadcast %select_n3A_269 : vector<256x1xf32> to vector<256x256xf32>
    %mul3A_277 = arith.mulf %mul3A_276, %slice3A_275 : vector<256x256xf32>
    %add3A_278 = arith.addf %add3A_258, %mul3A_277 : vector<256x256xf32>
    %slice3A_279 = vector.extract_strided_slice %add3A_75 {offsets = [0, 10], sizes = [256, 1], strides = [1, 1]} : vector<256x16xf32> to vector<256x1xf32>
    %ge3A_280 = arith.cmpf oge, %slice3A_279, %broadcast_in_dim3A_78 : vector<256x1xf32>
    %eq3A_281 = arith.constant 0.000000e+00 : f32
    %eq3A_282 = vector.broadcast %eq3A_281 : f32 to vector<256x1xf32>
    %eq3A_283 = arith.cmpf oeq, %add3A_270, %eq3A_282 : vector<256x1xf32>
    %and3A_284 = arith.andi %ge3A_280, %eq3A_283 : vector<256x1xi1>
    %jit3A_285 = arith.constant 1.000000e+00 : f32
    %jit3A_286 = arith.constant 0.000000e+00 : f32
    %broadcast_in_dim3A_287 = vector.broadcast %jit3A_285 : f32 to vector<256x1xf32>
    %broadcast_in_dim3A_288 = vector.broadcast %jit3A_286 : f32 to vector<256x1xf32>
    %select_n3A_289 = arith.select %and3A_284, %broadcast_in_dim3A_287, %broadcast_in_dim3A_288 : vector<256x1xi1>, vector<256x1xf32>
    %add3A_290 = arith.addf %add3A_270, %select_n3A_289 : vector<256x1xf32>
    %slice3A_291 = vector.extract_strided_slice %add3A_44 {offsets = [0, 2560], sizes = [256, 256], strides = [1, 1]} : vector<256x4096xf32> to vector<256x256xf32>
    %mul3A_292 = vector.broadcast %select_n3A_289 : vector<256x1xf32> to vector<256x256xf32>
    %mul3A_293 = arith.mulf %mul3A_292, %slice3A_291 : vector<256x256xf32>
    %add3A_294 = arith.addf %add3A_274, %mul3A_293 : vector<256x256xf32>
    %slice3A_295 = vector.extract_strided_slice %min3A_58 {offsets = [0, 2560], sizes = [256, 256], strides = [1, 1]} : vector<256x4096xf32> to vector<256x256xf32>
    %mul3A_296 = vector.broadcast %select_n3A_289 : vector<256x1xf32> to vector<256x256xf32>
    %mul3A_297 = arith.mulf %mul3A_296, %slice3A_295 : vector<256x256xf32>
    %add3A_298 = arith.addf %add3A_278, %mul3A_297 : vector<256x256xf32>
    %slice3A_299 = vector.extract_strided_slice %add3A_75 {offsets = [0, 11], sizes = [256, 1], strides = [1, 1]} : vector<256x16xf32> to vector<256x1xf32>
    %ge3A_300 = arith.cmpf oge, %slice3A_299, %broadcast_in_dim3A_78 : vector<256x1xf32>
    %eq3A_301 = arith.constant 0.000000e+00 : f32
    %eq3A_302 = vector.broadcast %eq3A_301 : f32 to vector<256x1xf32>
    %eq3A_303 = arith.cmpf oeq, %add3A_290, %eq3A_302 : vector<256x1xf32>
    %and3A_304 = arith.andi %ge3A_300, %eq3A_303 : vector<256x1xi1>
    %jit3A_305 = arith.constant 1.000000e+00 : f32
    %jit3A_306 = arith.constant 0.000000e+00 : f32
    %broadcast_in_dim3A_307 = vector.broadcast %jit3A_305 : f32 to vector<256x1xf32>
    %broadcast_in_dim3A_308 = vector.broadcast %jit3A_306 : f32 to vector<256x1xf32>
    %select_n3A_309 = arith.select %and3A_304, %broadcast_in_dim3A_307, %broadcast_in_dim3A_308 : vector<256x1xi1>, vector<256x1xf32>
    %add3A_310 = arith.addf %add3A_290, %select_n3A_309 : vector<256x1xf32>
    %slice3A_311 = vector.extract_strided_slice %add3A_44 {offsets = [0, 2816], sizes = [256, 256], strides = [1, 1]} : vector<256x4096xf32> to vector<256x256xf32>
    %mul3A_312 = vector.broadcast %select_n3A_309 : vector<256x1xf32> to vector<256x256xf32>
    %mul3A_313 = arith.mulf %mul3A_312, %slice3A_311 : vector<256x256xf32>
    %add3A_314 = arith.addf %add3A_294, %mul3A_313 : vector<256x256xf32>
    %slice3A_315 = vector.extract_strided_slice %min3A_58 {offsets = [0, 2816], sizes = [256, 256], strides = [1, 1]} : vector<256x4096xf32> to vector<256x256xf32>
    %mul3A_316 = vector.broadcast %select_n3A_309 : vector<256x1xf32> to vector<256x256xf32>
    %mul3A_317 = arith.mulf %mul3A_316, %slice3A_315 : vector<256x256xf32>
    %add3A_318 = arith.addf %add3A_298, %mul3A_317 : vector<256x256xf32>
    %slice3A_319 = vector.extract_strided_slice %add3A_75 {offsets = [0, 12], sizes = [256, 1], strides = [1, 1]} : vector<256x16xf32> to vector<256x1xf32>
    %ge3A_320 = arith.cmpf oge, %slice3A_319, %broadcast_in_dim3A_78 : vector<256x1xf32>
    %eq3A_321 = arith.constant 0.000000e+00 : f32
    %eq3A_322 = vector.broadcast %eq3A_321 : f32 to vector<256x1xf32>
    %eq3A_323 = arith.cmpf oeq, %add3A_310, %eq3A_322 : vector<256x1xf32>
    %and3A_324 = arith.andi %ge3A_320, %eq3A_323 : vector<256x1xi1>
    %jit3A_325 = arith.constant 1.000000e+00 : f32
    %jit3A_326 = arith.constant 0.000000e+00 : f32
    %broadcast_in_dim3A_327 = vector.broadcast %jit3A_325 : f32 to vector<256x1xf32>
    %broadcast_in_dim3A_328 = vector.broadcast %jit3A_326 : f32 to vector<256x1xf32>
    %select_n3A_329 = arith.select %and3A_324, %broadcast_in_dim3A_327, %broadcast_in_dim3A_328 : vector<256x1xi1>, vector<256x1xf32>
    %add3A_330 = arith.addf %add3A_310, %select_n3A_329 : vector<256x1xf32>
    %slice3A_331 = vector.extract_strided_slice %add3A_44 {offsets = [0, 3072], sizes = [256, 256], strides = [1, 1]} : vector<256x4096xf32> to vector<256x256xf32>
    %mul3A_332 = vector.broadcast %select_n3A_329 : vector<256x1xf32> to vector<256x256xf32>
    %mul3A_333 = arith.mulf %mul3A_332, %slice3A_331 : vector<256x256xf32>
    %add3A_334 = arith.addf %add3A_314, %mul3A_333 : vector<256x256xf32>
    %slice3A_335 = vector.extract_strided_slice %min3A_58 {offsets = [0, 3072], sizes = [256, 256], strides = [1, 1]} : vector<256x4096xf32> to vector<256x256xf32>
    %mul3A_336 = vector.broadcast %select_n3A_329 : vector<256x1xf32> to vector<256x256xf32>
    %mul3A_337 = arith.mulf %mul3A_336, %slice3A_335 : vector<256x256xf32>
    %add3A_338 = arith.addf %add3A_318, %mul3A_337 : vector<256x256xf32>
    %slice3A_339 = vector.extract_strided_slice %add3A_75 {offsets = [0, 13], sizes = [256, 1], strides = [1, 1]} : vector<256x16xf32> to vector<256x1xf32>
    %ge3A_340 = arith.cmpf oge, %slice3A_339, %broadcast_in_dim3A_78 : vector<256x1xf32>
    %eq3A_341 = arith.constant 0.000000e+00 : f32
    %eq3A_342 = vector.broadcast %eq3A_341 : f32 to vector<256x1xf32>
    %eq3A_343 = arith.cmpf oeq, %add3A_330, %eq3A_342 : vector<256x1xf32>
    %and3A_344 = arith.andi %ge3A_340, %eq3A_343 : vector<256x1xi1>
    %jit3A_345 = arith.constant 1.000000e+00 : f32
    %jit3A_346 = arith.constant 0.000000e+00 : f32
    %broadcast_in_dim3A_347 = vector.broadcast %jit3A_345 : f32 to vector<256x1xf32>
    %broadcast_in_dim3A_348 = vector.broadcast %jit3A_346 : f32 to vector<256x1xf32>
    %select_n3A_349 = arith.select %and3A_344, %broadcast_in_dim3A_347, %broadcast_in_dim3A_348 : vector<256x1xi1>, vector<256x1xf32>
    %add3A_350 = arith.addf %add3A_330, %select_n3A_349 : vector<256x1xf32>
    %slice3A_351 = vector.extract_strided_slice %add3A_44 {offsets = [0, 3328], sizes = [256, 256], strides = [1, 1]} : vector<256x4096xf32> to vector<256x256xf32>
    %mul3A_352 = vector.broadcast %select_n3A_349 : vector<256x1xf32> to vector<256x256xf32>
    %mul3A_353 = arith.mulf %mul3A_352, %slice3A_351 : vector<256x256xf32>
    %add3A_354 = arith.addf %add3A_334, %mul3A_353 : vector<256x256xf32>
    %slice3A_355 = vector.extract_strided_slice %min3A_58 {offsets = [0, 3328], sizes = [256, 256], strides = [1, 1]} : vector<256x4096xf32> to vector<256x256xf32>
    %mul3A_356 = vector.broadcast %select_n3A_349 : vector<256x1xf32> to vector<256x256xf32>
    %mul3A_357 = arith.mulf %mul3A_356, %slice3A_355 : vector<256x256xf32>
    %add3A_358 = arith.addf %add3A_338, %mul3A_357 : vector<256x256xf32>
    %slice3A_359 = vector.extract_strided_slice %add3A_75 {offsets = [0, 14], sizes = [256, 1], strides = [1, 1]} : vector<256x16xf32> to vector<256x1xf32>
    %ge3A_360 = arith.cmpf oge, %slice3A_359, %broadcast_in_dim3A_78 : vector<256x1xf32>
    %eq3A_361 = arith.constant 0.000000e+00 : f32
    %eq3A_362 = vector.broadcast %eq3A_361 : f32 to vector<256x1xf32>
    %eq3A_363 = arith.cmpf oeq, %add3A_350, %eq3A_362 : vector<256x1xf32>
    %and3A_364 = arith.andi %ge3A_360, %eq3A_363 : vector<256x1xi1>
    %jit3A_365 = arith.constant 1.000000e+00 : f32
    %jit3A_366 = arith.constant 0.000000e+00 : f32
    %broadcast_in_dim3A_367 = vector.broadcast %jit3A_365 : f32 to vector<256x1xf32>
    %broadcast_in_dim3A_368 = vector.broadcast %jit3A_366 : f32 to vector<256x1xf32>
    %select_n3A_369 = arith.select %and3A_364, %broadcast_in_dim3A_367, %broadcast_in_dim3A_368 : vector<256x1xi1>, vector<256x1xf32>
    %add3A_370 = arith.addf %add3A_350, %select_n3A_369 : vector<256x1xf32>
    %slice3A_371 = vector.extract_strided_slice %add3A_44 {offsets = [0, 3584], sizes = [256, 256], strides = [1, 1]} : vector<256x4096xf32> to vector<256x256xf32>
    %mul3A_372 = vector.broadcast %select_n3A_369 : vector<256x1xf32> to vector<256x256xf32>
    %mul3A_373 = arith.mulf %mul3A_372, %slice3A_371 : vector<256x256xf32>
    %add3A_374 = arith.addf %add3A_354, %mul3A_373 : vector<256x256xf32>
    %slice3A_375 = vector.extract_strided_slice %min3A_58 {offsets = [0, 3584], sizes = [256, 256], strides = [1, 1]} : vector<256x4096xf32> to vector<256x256xf32>
    %mul3A_376 = vector.broadcast %select_n3A_369 : vector<256x1xf32> to vector<256x256xf32>
    %mul3A_377 = arith.mulf %mul3A_376, %slice3A_375 : vector<256x256xf32>
    %add3A_378 = arith.addf %add3A_358, %mul3A_377 : vector<256x256xf32>
    %slice3A_379 = vector.extract_strided_slice %add3A_75 {offsets = [0, 15], sizes = [256, 1], strides = [1, 1]} : vector<256x16xf32> to vector<256x1xf32>
    %ge3A_380 = arith.cmpf oge, %slice3A_379, %broadcast_in_dim3A_78 : vector<256x1xf32>
    %eq3A_381 = arith.constant 0.000000e+00 : f32
    %eq3A_382 = vector.broadcast %eq3A_381 : f32 to vector<256x1xf32>
    %eq3A_383 = arith.cmpf oeq, %add3A_370, %eq3A_382 : vector<256x1xf32>
    %and3A_384 = arith.andi %ge3A_380, %eq3A_383 : vector<256x1xi1>
    %jit3A_385 = arith.constant 1.000000e+00 : f32
    %jit3A_386 = arith.constant 0.000000e+00 : f32
    %broadcast_in_dim3A_387 = vector.broadcast %jit3A_385 : f32 to vector<256x1xf32>
    %broadcast_in_dim3A_388 = vector.broadcast %jit3A_386 : f32 to vector<256x1xf32>
    %select_n3A_389 = arith.select %and3A_384, %broadcast_in_dim3A_387, %broadcast_in_dim3A_388 : vector<256x1xi1>, vector<256x1xf32>
    %slice3A_390 = vector.extract_strided_slice %add3A_44 {offsets = [0, 3840], sizes = [256, 256], strides = [1, 1]} : vector<256x4096xf32> to vector<256x256xf32>
    %mul3A_391 = vector.broadcast %select_n3A_389 : vector<256x1xf32> to vector<256x256xf32>
    %mul3A_392 = arith.mulf %mul3A_391, %slice3A_390 : vector<256x256xf32>
    %add3A_393 = arith.addf %add3A_374, %mul3A_392 : vector<256x256xf32>
    %slice3A_394 = vector.extract_strided_slice %min3A_58 {offsets = [0, 3840], sizes = [256, 256], strides = [1, 1]} : vector<256x4096xf32> to vector<256x256xf32>
    %mul3A_395 = vector.broadcast %select_n3A_389 : vector<256x1xf32> to vector<256x256xf32>
    %mul3A_396 = arith.mulf %mul3A_395, %slice3A_394 : vector<256x256xf32>
    %add3A_397 = arith.addf %add3A_378, %mul3A_396 : vector<256x256xf32>
    %exp3A_398 = math.exp %add3A_397 : vector<256x256xf32>
    %get3A_399 = arith.constant 0 : index
    %get3A_400 = arith.constant 0 : index
    %get3A_401 = vector.load %arg2[%get3A_399, %get3A_400] : memref<256x256xf32, #tpu.memory_space<vmem>>, vector<256x256xf32>
    %mul3A_402 = arith.mulf %exp3A_398, %get3A_401 : vector<256x256xf32>
    %add3A_403 = arith.addf %add3A_393, %mul3A_402 : vector<256x256xf32>
    %broadcast_in_dim3A_404 = arith.constant 0.000000e+00 : f32
    %broadcast_in_dim3A_405 = vector.broadcast %broadcast_in_dim3A_404 : f32 to vector<256x256xf32>
    %slice3A_406 = vector.extract_strided_slice %add3A_44 {offsets = [0, 0], sizes = [256, 256], strides = [1, 1]} : vector<256x4096xf32> to vector<256x256xf32>
    %slice3A_407 = vector.extract_strided_slice %min3A_58 {offsets = [0, 0], sizes = [256, 256], strides = [1, 1]} : vector<256x4096xf32> to vector<256x256xf32>
    %sub3A_408 = arith.subf %add3A_403, %slice3A_406 : vector<256x256xf32>
    %neg3A_409 = arith.constant 0.000000e+00 : f32
    %neg3A_410 = vector.broadcast %neg3A_409 : f32 to vector<256x256xf32>
    %neg3A_411 = arith.subf %neg3A_410, %slice3A_407 : vector<256x256xf32>
    %exp3A_412 = math.exp %neg3A_411 : vector<256x256xf32>
    %mul3A_413 = arith.mulf %sub3A_408, %exp3A_412 : vector<256x256xf32>
    %mul3A_414 = arith.constant -5.000000e-01 : f32
    %mul3A_415 = vector.broadcast %mul3A_414 : f32 to vector<256x256xf32>
    %mul3A_416 = arith.mulf %mul3A_415, %mul3A_413 : vector<256x256xf32>
    %mul3A_417 = arith.mulf %mul3A_416, %mul3A_413 : vector<256x256xf32>
    %sub3A_418 = arith.subf %mul3A_417, %slice3A_407 : vector<256x256xf32>
    %reduce_sum3A_419 = arith.constant dense<0.000000e+00> : vector<256xf32>
    %reduce_sum3A_420 = vector.multi_reduction <add>, %sub3A_418, %reduce_sum3A_419 [1] : vector<256x256xf32> to vector<256xf32>
    %broadcast_in_dim3A_421 = vector.shape_cast %reduce_sum3A_420 : vector<256xf32> to vector<256x1xf32>
    %slice3A_422 = vector.extract_strided_slice %sub3A_64 {offsets = [0, 0], sizes = [256, 1], strides = [1, 1]} : vector<256x16xf32> to vector<256x1xf32>
    %add3A_423 = arith.addf %slice3A_422, %broadcast_in_dim3A_421 : vector<256x1xf32>
    %slice3A_424 = vector.extract_strided_slice %sub3A_64 {offsets = [0, 0], sizes = [256, 1], strides = [1, 1]} : vector<256x16xf32> to vector<256x1xf32>
    %exp3A_425 = math.exp %slice3A_424 : vector<256x1xf32>
    %mul3A_426 = vector.broadcast %exp3A_425 : vector<256x1xf32> to vector<256x256xf32>
    %mul3A_427 = arith.mulf %mul3A_426, %slice3A_406 : vector<256x256xf32>
    %add3A_428 = arith.addf %broadcast_in_dim3A_405, %mul3A_427 : vector<256x256xf32>
    %slice3A_429 = vector.extract_strided_slice %add3A_44 {offsets = [0, 256], sizes = [256, 256], strides = [1, 1]} : vector<256x4096xf32> to vector<256x256xf32>
    %slice3A_430 = vector.extract_strided_slice %min3A_58 {offsets = [0, 256], sizes = [256, 256], strides = [1, 1]} : vector<256x4096xf32> to vector<256x256xf32>
    %sub3A_431 = arith.subf %add3A_403, %slice3A_429 : vector<256x256xf32>
    %neg3A_432 = arith.constant 0.000000e+00 : f32
    %neg3A_433 = vector.broadcast %neg3A_432 : f32 to vector<256x256xf32>
    %neg3A_434 = arith.subf %neg3A_433, %slice3A_430 : vector<256x256xf32>
    %exp3A_435 = math.exp %neg3A_434 : vector<256x256xf32>
    %mul3A_436 = arith.mulf %sub3A_431, %exp3A_435 : vector<256x256xf32>
    %mul3A_437 = arith.constant -5.000000e-01 : f32
    %mul3A_438 = vector.broadcast %mul3A_437 : f32 to vector<256x256xf32>
    %mul3A_439 = arith.mulf %mul3A_438, %mul3A_436 : vector<256x256xf32>
    %mul3A_440 = arith.mulf %mul3A_439, %mul3A_436 : vector<256x256xf32>
    %sub3A_441 = arith.subf %mul3A_440, %slice3A_430 : vector<256x256xf32>
    %reduce_sum3A_442 = arith.constant dense<0.000000e+00> : vector<256xf32>
    %reduce_sum3A_443 = vector.multi_reduction <add>, %sub3A_441, %reduce_sum3A_442 [1] : vector<256x256xf32> to vector<256xf32>
    %broadcast_in_dim3A_444 = vector.shape_cast %reduce_sum3A_443 : vector<256xf32> to vector<256x1xf32>
    %slice3A_445 = vector.extract_strided_slice %sub3A_64 {offsets = [0, 1], sizes = [256, 1], strides = [1, 1]} : vector<256x16xf32> to vector<256x1xf32>
    %add3A_446 = arith.addf %slice3A_445, %broadcast_in_dim3A_444 : vector<256x1xf32>
    %slice3A_447 = vector.extract_strided_slice %sub3A_64 {offsets = [0, 1], sizes = [256, 1], strides = [1, 1]} : vector<256x16xf32> to vector<256x1xf32>
    %exp3A_448 = math.exp %slice3A_447 : vector<256x1xf32>
    %mul3A_449 = vector.broadcast %exp3A_448 : vector<256x1xf32> to vector<256x256xf32>
    %mul3A_450 = arith.mulf %mul3A_449, %slice3A_429 : vector<256x256xf32>
    %add3A_451 = arith.addf %add3A_428, %mul3A_450 : vector<256x256xf32>
    %slice3A_452 = vector.extract_strided_slice %add3A_44 {offsets = [0, 512], sizes = [256, 256], strides = [1, 1]} : vector<256x4096xf32> to vector<256x256xf32>
    %slice3A_453 = vector.extract_strided_slice %min3A_58 {offsets = [0, 512], sizes = [256, 256], strides = [1, 1]} : vector<256x4096xf32> to vector<256x256xf32>
    %sub3A_454 = arith.subf %add3A_403, %slice3A_452 : vector<256x256xf32>
    %neg3A_455 = arith.constant 0.000000e+00 : f32
    %neg3A_456 = vector.broadcast %neg3A_455 : f32 to vector<256x256xf32>
    %neg3A_457 = arith.subf %neg3A_456, %slice3A_453 : vector<256x256xf32>
    %exp3A_458 = math.exp %neg3A_457 : vector<256x256xf32>
    %mul3A_459 = arith.mulf %sub3A_454, %exp3A_458 : vector<256x256xf32>
    %mul3A_460 = arith.constant -5.000000e-01 : f32
    %mul3A_461 = vector.broadcast %mul3A_460 : f32 to vector<256x256xf32>
    %mul3A_462 = arith.mulf %mul3A_461, %mul3A_459 : vector<256x256xf32>
    %mul3A_463 = arith.mulf %mul3A_462, %mul3A_459 : vector<256x256xf32>
    %sub3A_464 = arith.subf %mul3A_463, %slice3A_453 : vector<256x256xf32>
    %reduce_sum3A_465 = arith.constant dense<0.000000e+00> : vector<256xf32>
    %reduce_sum3A_466 = vector.multi_reduction <add>, %sub3A_464, %reduce_sum3A_465 [1] : vector<256x256xf32> to vector<256xf32>
    %broadcast_in_dim3A_467 = vector.shape_cast %reduce_sum3A_466 : vector<256xf32> to vector<256x1xf32>
    %slice3A_468 = vector.extract_strided_slice %sub3A_64 {offsets = [0, 2], sizes = [256, 1], strides = [1, 1]} : vector<256x16xf32> to vector<256x1xf32>
    %add3A_469 = arith.addf %slice3A_468, %broadcast_in_dim3A_467 : vector<256x1xf32>
    %slice3A_470 = vector.extract_strided_slice %sub3A_64 {offsets = [0, 2], sizes = [256, 1], strides = [1, 1]} : vector<256x16xf32> to vector<256x1xf32>
    %exp3A_471 = math.exp %slice3A_470 : vector<256x1xf32>
    %mul3A_472 = vector.broadcast %exp3A_471 : vector<256x1xf32> to vector<256x256xf32>
    %mul3A_473 = arith.mulf %mul3A_472, %slice3A_452 : vector<256x256xf32>
    %add3A_474 = arith.addf %add3A_451, %mul3A_473 : vector<256x256xf32>
    %slice3A_475 = vector.extract_strided_slice %add3A_44 {offsets = [0, 768], sizes = [256, 256], strides = [1, 1]} : vector<256x4096xf32> to vector<256x256xf32>
    %slice3A_476 = vector.extract_strided_slice %min3A_58 {offsets = [0, 768], sizes = [256, 256], strides = [1, 1]} : vector<256x4096xf32> to vector<256x256xf32>
    %sub3A_477 = arith.subf %add3A_403, %slice3A_475 : vector<256x256xf32>
    %neg3A_478 = arith.constant 0.000000e+00 : f32
    %neg3A_479 = vector.broadcast %neg3A_478 : f32 to vector<256x256xf32>
    %neg3A_480 = arith.subf %neg3A_479, %slice3A_476 : vector<256x256xf32>
    %exp3A_481 = math.exp %neg3A_480 : vector<256x256xf32>
    %mul3A_482 = arith.mulf %sub3A_477, %exp3A_481 : vector<256x256xf32>
    %mul3A_483 = arith.constant -5.000000e-01 : f32
    %mul3A_484 = vector.broadcast %mul3A_483 : f32 to vector<256x256xf32>
    %mul3A_485 = arith.mulf %mul3A_484, %mul3A_482 : vector<256x256xf32>
    %mul3A_486 = arith.mulf %mul3A_485, %mul3A_482 : vector<256x256xf32>
    %sub3A_487 = arith.subf %mul3A_486, %slice3A_476 : vector<256x256xf32>
    %reduce_sum3A_488 = arith.constant dense<0.000000e+00> : vector<256xf32>
    %reduce_sum3A_489 = vector.multi_reduction <add>, %sub3A_487, %reduce_sum3A_488 [1] : vector<256x256xf32> to vector<256xf32>
    %broadcast_in_dim3A_490 = vector.shape_cast %reduce_sum3A_489 : vector<256xf32> to vector<256x1xf32>
    %slice3A_491 = vector.extract_strided_slice %sub3A_64 {offsets = [0, 3], sizes = [256, 1], strides = [1, 1]} : vector<256x16xf32> to vector<256x1xf32>
    %add3A_492 = arith.addf %slice3A_491, %broadcast_in_dim3A_490 : vector<256x1xf32>
    %slice3A_493 = vector.extract_strided_slice %sub3A_64 {offsets = [0, 3], sizes = [256, 1], strides = [1, 1]} : vector<256x16xf32> to vector<256x1xf32>
    %exp3A_494 = math.exp %slice3A_493 : vector<256x1xf32>
    %mul3A_495 = vector.broadcast %exp3A_494 : vector<256x1xf32> to vector<256x256xf32>
    %mul3A_496 = arith.mulf %mul3A_495, %slice3A_475 : vector<256x256xf32>
    %add3A_497 = arith.addf %add3A_474, %mul3A_496 : vector<256x256xf32>
    %slice3A_498 = vector.extract_strided_slice %add3A_44 {offsets = [0, 1024], sizes = [256, 256], strides = [1, 1]} : vector<256x4096xf32> to vector<256x256xf32>
    %slice3A_499 = vector.extract_strided_slice %min3A_58 {offsets = [0, 1024], sizes = [256, 256], strides = [1, 1]} : vector<256x4096xf32> to vector<256x256xf32>
    %sub3A_500 = arith.subf %add3A_403, %slice3A_498 : vector<256x256xf32>
    %neg3A_501 = arith.constant 0.000000e+00 : f32
    %neg3A_502 = vector.broadcast %neg3A_501 : f32 to vector<256x256xf32>
    %neg3A_503 = arith.subf %neg3A_502, %slice3A_499 : vector<256x256xf32>
    %exp3A_504 = math.exp %neg3A_503 : vector<256x256xf32>
    %mul3A_505 = arith.mulf %sub3A_500, %exp3A_504 : vector<256x256xf32>
    %mul3A_506 = arith.constant -5.000000e-01 : f32
    %mul3A_507 = vector.broadcast %mul3A_506 : f32 to vector<256x256xf32>
    %mul3A_508 = arith.mulf %mul3A_507, %mul3A_505 : vector<256x256xf32>
    %mul3A_509 = arith.mulf %mul3A_508, %mul3A_505 : vector<256x256xf32>
    %sub3A_510 = arith.subf %mul3A_509, %slice3A_499 : vector<256x256xf32>
    %reduce_sum3A_511 = arith.constant dense<0.000000e+00> : vector<256xf32>
    %reduce_sum3A_512 = vector.multi_reduction <add>, %sub3A_510, %reduce_sum3A_511 [1] : vector<256x256xf32> to vector<256xf32>
    %broadcast_in_dim3A_513 = vector.shape_cast %reduce_sum3A_512 : vector<256xf32> to vector<256x1xf32>
    %slice3A_514 = vector.extract_strided_slice %sub3A_64 {offsets = [0, 4], sizes = [256, 1], strides = [1, 1]} : vector<256x16xf32> to vector<256x1xf32>
    %add3A_515 = arith.addf %slice3A_514, %broadcast_in_dim3A_513 : vector<256x1xf32>
    %slice3A_516 = vector.extract_strided_slice %sub3A_64 {offsets = [0, 4], sizes = [256, 1], strides = [1, 1]} : vector<256x16xf32> to vector<256x1xf32>
    %exp3A_517 = math.exp %slice3A_516 : vector<256x1xf32>
    %mul3A_518 = vector.broadcast %exp3A_517 : vector<256x1xf32> to vector<256x256xf32>
    %mul3A_519 = arith.mulf %mul3A_518, %slice3A_498 : vector<256x256xf32>
    %add3A_520 = arith.addf %add3A_497, %mul3A_519 : vector<256x256xf32>
    %slice3A_521 = vector.extract_strided_slice %add3A_44 {offsets = [0, 1280], sizes = [256, 256], strides = [1, 1]} : vector<256x4096xf32> to vector<256x256xf32>
    %slice3A_522 = vector.extract_strided_slice %min3A_58 {offsets = [0, 1280], sizes = [256, 256], strides = [1, 1]} : vector<256x4096xf32> to vector<256x256xf32>
    %sub3A_523 = arith.subf %add3A_403, %slice3A_521 : vector<256x256xf32>
    %neg3A_524 = arith.constant 0.000000e+00 : f32
    %neg3A_525 = vector.broadcast %neg3A_524 : f32 to vector<256x256xf32>
    %neg3A_526 = arith.subf %neg3A_525, %slice3A_522 : vector<256x256xf32>
    %exp3A_527 = math.exp %neg3A_526 : vector<256x256xf32>
    %mul3A_528 = arith.mulf %sub3A_523, %exp3A_527 : vector<256x256xf32>
    %mul3A_529 = arith.constant -5.000000e-01 : f32
    %mul3A_530 = vector.broadcast %mul3A_529 : f32 to vector<256x256xf32>
    %mul3A_531 = arith.mulf %mul3A_530, %mul3A_528 : vector<256x256xf32>
    %mul3A_532 = arith.mulf %mul3A_531, %mul3A_528 : vector<256x256xf32>
    %sub3A_533 = arith.subf %mul3A_532, %slice3A_522 : vector<256x256xf32>
    %reduce_sum3A_534 = arith.constant dense<0.000000e+00> : vector<256xf32>
    %reduce_sum3A_535 = vector.multi_reduction <add>, %sub3A_533, %reduce_sum3A_534 [1] : vector<256x256xf32> to vector<256xf32>
    %broadcast_in_dim3A_536 = vector.shape_cast %reduce_sum3A_535 : vector<256xf32> to vector<256x1xf32>
    %slice3A_537 = vector.extract_strided_slice %sub3A_64 {offsets = [0, 5], sizes = [256, 1], strides = [1, 1]} : vector<256x16xf32> to vector<256x1xf32>
    %add3A_538 = arith.addf %slice3A_537, %broadcast_in_dim3A_536 : vector<256x1xf32>
    %slice3A_539 = vector.extract_strided_slice %sub3A_64 {offsets = [0, 5], sizes = [256, 1], strides = [1, 1]} : vector<256x16xf32> to vector<256x1xf32>
    %exp3A_540 = math.exp %slice3A_539 : vector<256x1xf32>
    %mul3A_541 = vector.broadcast %exp3A_540 : vector<256x1xf32> to vector<256x256xf32>
    %mul3A_542 = arith.mulf %mul3A_541, %slice3A_521 : vector<256x256xf32>
    %add3A_543 = arith.addf %add3A_520, %mul3A_542 : vector<256x256xf32>
    %slice3A_544 = vector.extract_strided_slice %add3A_44 {offsets = [0, 1536], sizes = [256, 256], strides = [1, 1]} : vector<256x4096xf32> to vector<256x256xf32>
    %slice3A_545 = vector.extract_strided_slice %min3A_58 {offsets = [0, 1536], sizes = [256, 256], strides = [1, 1]} : vector<256x4096xf32> to vector<256x256xf32>
    %sub3A_546 = arith.subf %add3A_403, %slice3A_544 : vector<256x256xf32>
    %neg3A_547 = arith.constant 0.000000e+00 : f32
    %neg3A_548 = vector.broadcast %neg3A_547 : f32 to vector<256x256xf32>
    %neg3A_549 = arith.subf %neg3A_548, %slice3A_545 : vector<256x256xf32>
    %exp3A_550 = math.exp %neg3A_549 : vector<256x256xf32>
    %mul3A_551 = arith.mulf %sub3A_546, %exp3A_550 : vector<256x256xf32>
    %mul3A_552 = arith.constant -5.000000e-01 : f32
    %mul3A_553 = vector.broadcast %mul3A_552 : f32 to vector<256x256xf32>
    %mul3A_554 = arith.mulf %mul3A_553, %mul3A_551 : vector<256x256xf32>
    %mul3A_555 = arith.mulf %mul3A_554, %mul3A_551 : vector<256x256xf32>
    %sub3A_556 = arith.subf %mul3A_555, %slice3A_545 : vector<256x256xf32>
    %reduce_sum3A_557 = arith.constant dense<0.000000e+00> : vector<256xf32>
    %reduce_sum3A_558 = vector.multi_reduction <add>, %sub3A_556, %reduce_sum3A_557 [1] : vector<256x256xf32> to vector<256xf32>
    %broadcast_in_dim3A_559 = vector.shape_cast %reduce_sum3A_558 : vector<256xf32> to vector<256x1xf32>
    %slice3A_560 = vector.extract_strided_slice %sub3A_64 {offsets = [0, 6], sizes = [256, 1], strides = [1, 1]} : vector<256x16xf32> to vector<256x1xf32>
    %add3A_561 = arith.addf %slice3A_560, %broadcast_in_dim3A_559 : vector<256x1xf32>
    %slice3A_562 = vector.extract_strided_slice %sub3A_64 {offsets = [0, 6], sizes = [256, 1], strides = [1, 1]} : vector<256x16xf32> to vector<256x1xf32>
    %exp3A_563 = math.exp %slice3A_562 : vector<256x1xf32>
    %mul3A_564 = vector.broadcast %exp3A_563 : vector<256x1xf32> to vector<256x256xf32>
    %mul3A_565 = arith.mulf %mul3A_564, %slice3A_544 : vector<256x256xf32>
    %add3A_566 = arith.addf %add3A_543, %mul3A_565 : vector<256x256xf32>
    %slice3A_567 = vector.extract_strided_slice %add3A_44 {offsets = [0, 1792], sizes = [256, 256], strides = [1, 1]} : vector<256x4096xf32> to vector<256x256xf32>
    %slice3A_568 = vector.extract_strided_slice %min3A_58 {offsets = [0, 1792], sizes = [256, 256], strides = [1, 1]} : vector<256x4096xf32> to vector<256x256xf32>
    %sub3A_569 = arith.subf %add3A_403, %slice3A_567 : vector<256x256xf32>
    %neg3A_570 = arith.constant 0.000000e+00 : f32
    %neg3A_571 = vector.broadcast %neg3A_570 : f32 to vector<256x256xf32>
    %neg3A_572 = arith.subf %neg3A_571, %slice3A_568 : vector<256x256xf32>
    %exp3A_573 = math.exp %neg3A_572 : vector<256x256xf32>
    %mul3A_574 = arith.mulf %sub3A_569, %exp3A_573 : vector<256x256xf32>
    %mul3A_575 = arith.constant -5.000000e-01 : f32
    %mul3A_576 = vector.broadcast %mul3A_575 : f32 to vector<256x256xf32>
    %mul3A_577 = arith.mulf %mul3A_576, %mul3A_574 : vector<256x256xf32>
    %mul3A_578 = arith.mulf %mul3A_577, %mul3A_574 : vector<256x256xf32>
    %sub3A_579 = arith.subf %mul3A_578, %slice3A_568 : vector<256x256xf32>
    %reduce_sum3A_580 = arith.constant dense<0.000000e+00> : vector<256xf32>
    %reduce_sum3A_581 = vector.multi_reduction <add>, %sub3A_579, %reduce_sum3A_580 [1] : vector<256x256xf32> to vector<256xf32>
    %broadcast_in_dim3A_582 = vector.shape_cast %reduce_sum3A_581 : vector<256xf32> to vector<256x1xf32>
    %slice3A_583 = vector.extract_strided_slice %sub3A_64 {offsets = [0, 7], sizes = [256, 1], strides = [1, 1]} : vector<256x16xf32> to vector<256x1xf32>
    %add3A_584 = arith.addf %slice3A_583, %broadcast_in_dim3A_582 : vector<256x1xf32>
    %slice3A_585 = vector.extract_strided_slice %sub3A_64 {offsets = [0, 7], sizes = [256, 1], strides = [1, 1]} : vector<256x16xf32> to vector<256x1xf32>
    %exp3A_586 = math.exp %slice3A_585 : vector<256x1xf32>
    %mul3A_587 = vector.broadcast %exp3A_586 : vector<256x1xf32> to vector<256x256xf32>
    %mul3A_588 = arith.mulf %mul3A_587, %slice3A_567 : vector<256x256xf32>
    %add3A_589 = arith.addf %add3A_566, %mul3A_588 : vector<256x256xf32>
    %slice3A_590 = vector.extract_strided_slice %add3A_44 {offsets = [0, 2048], sizes = [256, 256], strides = [1, 1]} : vector<256x4096xf32> to vector<256x256xf32>
    %slice3A_591 = vector.extract_strided_slice %min3A_58 {offsets = [0, 2048], sizes = [256, 256], strides = [1, 1]} : vector<256x4096xf32> to vector<256x256xf32>
    %sub3A_592 = arith.subf %add3A_403, %slice3A_590 : vector<256x256xf32>
    %neg3A_593 = arith.constant 0.000000e+00 : f32
    %neg3A_594 = vector.broadcast %neg3A_593 : f32 to vector<256x256xf32>
    %neg3A_595 = arith.subf %neg3A_594, %slice3A_591 : vector<256x256xf32>
    %exp3A_596 = math.exp %neg3A_595 : vector<256x256xf32>
    %mul3A_597 = arith.mulf %sub3A_592, %exp3A_596 : vector<256x256xf32>
    %mul3A_598 = arith.constant -5.000000e-01 : f32
    %mul3A_599 = vector.broadcast %mul3A_598 : f32 to vector<256x256xf32>
    %mul3A_600 = arith.mulf %mul3A_599, %mul3A_597 : vector<256x256xf32>
    %mul3A_601 = arith.mulf %mul3A_600, %mul3A_597 : vector<256x256xf32>
    %sub3A_602 = arith.subf %mul3A_601, %slice3A_591 : vector<256x256xf32>
    %reduce_sum3A_603 = arith.constant dense<0.000000e+00> : vector<256xf32>
    %reduce_sum3A_604 = vector.multi_reduction <add>, %sub3A_602, %reduce_sum3A_603 [1] : vector<256x256xf32> to vector<256xf32>
    %broadcast_in_dim3A_605 = vector.shape_cast %reduce_sum3A_604 : vector<256xf32> to vector<256x1xf32>
    %slice3A_606 = vector.extract_strided_slice %sub3A_64 {offsets = [0, 8], sizes = [256, 1], strides = [1, 1]} : vector<256x16xf32> to vector<256x1xf32>
    %add3A_607 = arith.addf %slice3A_606, %broadcast_in_dim3A_605 : vector<256x1xf32>
    %slice3A_608 = vector.extract_strided_slice %sub3A_64 {offsets = [0, 8], sizes = [256, 1], strides = [1, 1]} : vector<256x16xf32> to vector<256x1xf32>
    %exp3A_609 = math.exp %slice3A_608 : vector<256x1xf32>
    %mul3A_610 = vector.broadcast %exp3A_609 : vector<256x1xf32> to vector<256x256xf32>
    %mul3A_611 = arith.mulf %mul3A_610, %slice3A_590 : vector<256x256xf32>
    %add3A_612 = arith.addf %add3A_589, %mul3A_611 : vector<256x256xf32>
    %slice3A_613 = vector.extract_strided_slice %add3A_44 {offsets = [0, 2304], sizes = [256, 256], strides = [1, 1]} : vector<256x4096xf32> to vector<256x256xf32>
    %slice3A_614 = vector.extract_strided_slice %min3A_58 {offsets = [0, 2304], sizes = [256, 256], strides = [1, 1]} : vector<256x4096xf32> to vector<256x256xf32>
    %sub3A_615 = arith.subf %add3A_403, %slice3A_613 : vector<256x256xf32>
    %neg3A_616 = arith.constant 0.000000e+00 : f32
    %neg3A_617 = vector.broadcast %neg3A_616 : f32 to vector<256x256xf32>
    %neg3A_618 = arith.subf %neg3A_617, %slice3A_614 : vector<256x256xf32>
    %exp3A_619 = math.exp %neg3A_618 : vector<256x256xf32>
    %mul3A_620 = arith.mulf %sub3A_615, %exp3A_619 : vector<256x256xf32>
    %mul3A_621 = arith.constant -5.000000e-01 : f32
    %mul3A_622 = vector.broadcast %mul3A_621 : f32 to vector<256x256xf32>
    %mul3A_623 = arith.mulf %mul3A_622, %mul3A_620 : vector<256x256xf32>
    %mul3A_624 = arith.mulf %mul3A_623, %mul3A_620 : vector<256x256xf32>
    %sub3A_625 = arith.subf %mul3A_624, %slice3A_614 : vector<256x256xf32>
    %reduce_sum3A_626 = arith.constant dense<0.000000e+00> : vector<256xf32>
    %reduce_sum3A_627 = vector.multi_reduction <add>, %sub3A_625, %reduce_sum3A_626 [1] : vector<256x256xf32> to vector<256xf32>
    %broadcast_in_dim3A_628 = vector.shape_cast %reduce_sum3A_627 : vector<256xf32> to vector<256x1xf32>
    %slice3A_629 = vector.extract_strided_slice %sub3A_64 {offsets = [0, 9], sizes = [256, 1], strides = [1, 1]} : vector<256x16xf32> to vector<256x1xf32>
    %add3A_630 = arith.addf %slice3A_629, %broadcast_in_dim3A_628 : vector<256x1xf32>
    %slice3A_631 = vector.extract_strided_slice %sub3A_64 {offsets = [0, 9], sizes = [256, 1], strides = [1, 1]} : vector<256x16xf32> to vector<256x1xf32>
    %exp3A_632 = math.exp %slice3A_631 : vector<256x1xf32>
    %mul3A_633 = vector.broadcast %exp3A_632 : vector<256x1xf32> to vector<256x256xf32>
    %mul3A_634 = arith.mulf %mul3A_633, %slice3A_613 : vector<256x256xf32>
    %add3A_635 = arith.addf %add3A_612, %mul3A_634 : vector<256x256xf32>
    %slice3A_636 = vector.extract_strided_slice %add3A_44 {offsets = [0, 2560], sizes = [256, 256], strides = [1, 1]} : vector<256x4096xf32> to vector<256x256xf32>
    %slice3A_637 = vector.extract_strided_slice %min3A_58 {offsets = [0, 2560], sizes = [256, 256], strides = [1, 1]} : vector<256x4096xf32> to vector<256x256xf32>
    %sub3A_638 = arith.subf %add3A_403, %slice3A_636 : vector<256x256xf32>
    %neg3A_639 = arith.constant 0.000000e+00 : f32
    %neg3A_640 = vector.broadcast %neg3A_639 : f32 to vector<256x256xf32>
    %neg3A_641 = arith.subf %neg3A_640, %slice3A_637 : vector<256x256xf32>
    %exp3A_642 = math.exp %neg3A_641 : vector<256x256xf32>
    %mul3A_643 = arith.mulf %sub3A_638, %exp3A_642 : vector<256x256xf32>
    %mul3A_644 = arith.constant -5.000000e-01 : f32
    %mul3A_645 = vector.broadcast %mul3A_644 : f32 to vector<256x256xf32>
    %mul3A_646 = arith.mulf %mul3A_645, %mul3A_643 : vector<256x256xf32>
    %mul3A_647 = arith.mulf %mul3A_646, %mul3A_643 : vector<256x256xf32>
    %sub3A_648 = arith.subf %mul3A_647, %slice3A_637 : vector<256x256xf32>
    %reduce_sum3A_649 = arith.constant dense<0.000000e+00> : vector<256xf32>
    %reduce_sum3A_650 = vector.multi_reduction <add>, %sub3A_648, %reduce_sum3A_649 [1] : vector<256x256xf32> to vector<256xf32>
    %broadcast_in_dim3A_651 = vector.shape_cast %reduce_sum3A_650 : vector<256xf32> to vector<256x1xf32>
    %slice3A_652 = vector.extract_strided_slice %sub3A_64 {offsets = [0, 10], sizes = [256, 1], strides = [1, 1]} : vector<256x16xf32> to vector<256x1xf32>
    %add3A_653 = arith.addf %slice3A_652, %broadcast_in_dim3A_651 : vector<256x1xf32>
    %slice3A_654 = vector.extract_strided_slice %sub3A_64 {offsets = [0, 10], sizes = [256, 1], strides = [1, 1]} : vector<256x16xf32> to vector<256x1xf32>
    %exp3A_655 = math.exp %slice3A_654 : vector<256x1xf32>
    %mul3A_656 = vector.broadcast %exp3A_655 : vector<256x1xf32> to vector<256x256xf32>
    %mul3A_657 = arith.mulf %mul3A_656, %slice3A_636 : vector<256x256xf32>
    %add3A_658 = arith.addf %add3A_635, %mul3A_657 : vector<256x256xf32>
    %slice3A_659 = vector.extract_strided_slice %add3A_44 {offsets = [0, 2816], sizes = [256, 256], strides = [1, 1]} : vector<256x4096xf32> to vector<256x256xf32>
    %slice3A_660 = vector.extract_strided_slice %min3A_58 {offsets = [0, 2816], sizes = [256, 256], strides = [1, 1]} : vector<256x4096xf32> to vector<256x256xf32>
    %sub3A_661 = arith.subf %add3A_403, %slice3A_659 : vector<256x256xf32>
    %neg3A_662 = arith.constant 0.000000e+00 : f32
    %neg3A_663 = vector.broadcast %neg3A_662 : f32 to vector<256x256xf32>
    %neg3A_664 = arith.subf %neg3A_663, %slice3A_660 : vector<256x256xf32>
    %exp3A_665 = math.exp %neg3A_664 : vector<256x256xf32>
    %mul3A_666 = arith.mulf %sub3A_661, %exp3A_665 : vector<256x256xf32>
    %mul3A_667 = arith.constant -5.000000e-01 : f32
    %mul3A_668 = vector.broadcast %mul3A_667 : f32 to vector<256x256xf32>
    %mul3A_669 = arith.mulf %mul3A_668, %mul3A_666 : vector<256x256xf32>
    %mul3A_670 = arith.mulf %mul3A_669, %mul3A_666 : vector<256x256xf32>
    %sub3A_671 = arith.subf %mul3A_670, %slice3A_660 : vector<256x256xf32>
    %reduce_sum3A_672 = arith.constant dense<0.000000e+00> : vector<256xf32>
    %reduce_sum3A_673 = vector.multi_reduction <add>, %sub3A_671, %reduce_sum3A_672 [1] : vector<256x256xf32> to vector<256xf32>
    %broadcast_in_dim3A_674 = vector.shape_cast %reduce_sum3A_673 : vector<256xf32> to vector<256x1xf32>
    %slice3A_675 = vector.extract_strided_slice %sub3A_64 {offsets = [0, 11], sizes = [256, 1], strides = [1, 1]} : vector<256x16xf32> to vector<256x1xf32>
    %add3A_676 = arith.addf %slice3A_675, %broadcast_in_dim3A_674 : vector<256x1xf32>
    %slice3A_677 = vector.extract_strided_slice %sub3A_64 {offsets = [0, 11], sizes = [256, 1], strides = [1, 1]} : vector<256x16xf32> to vector<256x1xf32>
    %exp3A_678 = math.exp %slice3A_677 : vector<256x1xf32>
    %mul3A_679 = vector.broadcast %exp3A_678 : vector<256x1xf32> to vector<256x256xf32>
    %mul3A_680 = arith.mulf %mul3A_679, %slice3A_659 : vector<256x256xf32>
    %add3A_681 = arith.addf %add3A_658, %mul3A_680 : vector<256x256xf32>
    %slice3A_682 = vector.extract_strided_slice %add3A_44 {offsets = [0, 3072], sizes = [256, 256], strides = [1, 1]} : vector<256x4096xf32> to vector<256x256xf32>
    %slice3A_683 = vector.extract_strided_slice %min3A_58 {offsets = [0, 3072], sizes = [256, 256], strides = [1, 1]} : vector<256x4096xf32> to vector<256x256xf32>
    %sub3A_684 = arith.subf %add3A_403, %slice3A_682 : vector<256x256xf32>
    %neg3A_685 = arith.constant 0.000000e+00 : f32
    %neg3A_686 = vector.broadcast %neg3A_685 : f32 to vector<256x256xf32>
    %neg3A_687 = arith.subf %neg3A_686, %slice3A_683 : vector<256x256xf32>
    %exp3A_688 = math.exp %neg3A_687 : vector<256x256xf32>
    %mul3A_689 = arith.mulf %sub3A_684, %exp3A_688 : vector<256x256xf32>
    %mul3A_690 = arith.constant -5.000000e-01 : f32
    %mul3A_691 = vector.broadcast %mul3A_690 : f32 to vector<256x256xf32>
    %mul3A_692 = arith.mulf %mul3A_691, %mul3A_689 : vector<256x256xf32>
    %mul3A_693 = arith.mulf %mul3A_692, %mul3A_689 : vector<256x256xf32>
    %sub3A_694 = arith.subf %mul3A_693, %slice3A_683 : vector<256x256xf32>
    %reduce_sum3A_695 = arith.constant dense<0.000000e+00> : vector<256xf32>
    %reduce_sum3A_696 = vector.multi_reduction <add>, %sub3A_694, %reduce_sum3A_695 [1] : vector<256x256xf32> to vector<256xf32>
    %broadcast_in_dim3A_697 = vector.shape_cast %reduce_sum3A_696 : vector<256xf32> to vector<256x1xf32>
    %slice3A_698 = vector.extract_strided_slice %sub3A_64 {offsets = [0, 12], sizes = [256, 1], strides = [1, 1]} : vector<256x16xf32> to vector<256x1xf32>
    %add3A_699 = arith.addf %slice3A_698, %broadcast_in_dim3A_697 : vector<256x1xf32>
    %slice3A_700 = vector.extract_strided_slice %sub3A_64 {offsets = [0, 12], sizes = [256, 1], strides = [1, 1]} : vector<256x16xf32> to vector<256x1xf32>
    %exp3A_701 = math.exp %slice3A_700 : vector<256x1xf32>
    %mul3A_702 = vector.broadcast %exp3A_701 : vector<256x1xf32> to vector<256x256xf32>
    %mul3A_703 = arith.mulf %mul3A_702, %slice3A_682 : vector<256x256xf32>
    %add3A_704 = arith.addf %add3A_681, %mul3A_703 : vector<256x256xf32>
    %slice3A_705 = vector.extract_strided_slice %add3A_44 {offsets = [0, 3328], sizes = [256, 256], strides = [1, 1]} : vector<256x4096xf32> to vector<256x256xf32>
    %slice3A_706 = vector.extract_strided_slice %min3A_58 {offsets = [0, 3328], sizes = [256, 256], strides = [1, 1]} : vector<256x4096xf32> to vector<256x256xf32>
    %sub3A_707 = arith.subf %add3A_403, %slice3A_705 : vector<256x256xf32>
    %neg3A_708 = arith.constant 0.000000e+00 : f32
    %neg3A_709 = vector.broadcast %neg3A_708 : f32 to vector<256x256xf32>
    %neg3A_710 = arith.subf %neg3A_709, %slice3A_706 : vector<256x256xf32>
    %exp3A_711 = math.exp %neg3A_710 : vector<256x256xf32>
    %mul3A_712 = arith.mulf %sub3A_707, %exp3A_711 : vector<256x256xf32>
    %mul3A_713 = arith.constant -5.000000e-01 : f32
    %mul3A_714 = vector.broadcast %mul3A_713 : f32 to vector<256x256xf32>
    %mul3A_715 = arith.mulf %mul3A_714, %mul3A_712 : vector<256x256xf32>
    %mul3A_716 = arith.mulf %mul3A_715, %mul3A_712 : vector<256x256xf32>
    %sub3A_717 = arith.subf %mul3A_716, %slice3A_706 : vector<256x256xf32>
    %reduce_sum3A_718 = arith.constant dense<0.000000e+00> : vector<256xf32>
    %reduce_sum3A_719 = vector.multi_reduction <add>, %sub3A_717, %reduce_sum3A_718 [1] : vector<256x256xf32> to vector<256xf32>
    %broadcast_in_dim3A_720 = vector.shape_cast %reduce_sum3A_719 : vector<256xf32> to vector<256x1xf32>
    %slice3A_721 = vector.extract_strided_slice %sub3A_64 {offsets = [0, 13], sizes = [256, 1], strides = [1, 1]} : vector<256x16xf32> to vector<256x1xf32>
    %add3A_722 = arith.addf %slice3A_721, %broadcast_in_dim3A_720 : vector<256x1xf32>
    %slice3A_723 = vector.extract_strided_slice %sub3A_64 {offsets = [0, 13], sizes = [256, 1], strides = [1, 1]} : vector<256x16xf32> to vector<256x1xf32>
    %exp3A_724 = math.exp %slice3A_723 : vector<256x1xf32>
    %mul3A_725 = vector.broadcast %exp3A_724 : vector<256x1xf32> to vector<256x256xf32>
    %mul3A_726 = arith.mulf %mul3A_725, %slice3A_705 : vector<256x256xf32>
    %add3A_727 = arith.addf %add3A_704, %mul3A_726 : vector<256x256xf32>
    %slice3A_728 = vector.extract_strided_slice %add3A_44 {offsets = [0, 3584], sizes = [256, 256], strides = [1, 1]} : vector<256x4096xf32> to vector<256x256xf32>
    %slice3A_729 = vector.extract_strided_slice %min3A_58 {offsets = [0, 3584], sizes = [256, 256], strides = [1, 1]} : vector<256x4096xf32> to vector<256x256xf32>
    %sub3A_730 = arith.subf %add3A_403, %slice3A_728 : vector<256x256xf32>
    %neg3A_731 = arith.constant 0.000000e+00 : f32
    %neg3A_732 = vector.broadcast %neg3A_731 : f32 to vector<256x256xf32>
    %neg3A_733 = arith.subf %neg3A_732, %slice3A_729 : vector<256x256xf32>
    %exp3A_734 = math.exp %neg3A_733 : vector<256x256xf32>
    %mul3A_735 = arith.mulf %sub3A_730, %exp3A_734 : vector<256x256xf32>
    %mul3A_736 = arith.constant -5.000000e-01 : f32
    %mul3A_737 = vector.broadcast %mul3A_736 : f32 to vector<256x256xf32>
    %mul3A_738 = arith.mulf %mul3A_737, %mul3A_735 : vector<256x256xf32>
    %mul3A_739 = arith.mulf %mul3A_738, %mul3A_735 : vector<256x256xf32>
    %sub3A_740 = arith.subf %mul3A_739, %slice3A_729 : vector<256x256xf32>
    %reduce_sum3A_741 = arith.constant dense<0.000000e+00> : vector<256xf32>
    %reduce_sum3A_742 = vector.multi_reduction <add>, %sub3A_740, %reduce_sum3A_741 [1] : vector<256x256xf32> to vector<256xf32>
    %broadcast_in_dim3A_743 = vector.shape_cast %reduce_sum3A_742 : vector<256xf32> to vector<256x1xf32>
    %slice3A_744 = vector.extract_strided_slice %sub3A_64 {offsets = [0, 14], sizes = [256, 1], strides = [1, 1]} : vector<256x16xf32> to vector<256x1xf32>
    %add3A_745 = arith.addf %slice3A_744, %broadcast_in_dim3A_743 : vector<256x1xf32>
    %slice3A_746 = vector.extract_strided_slice %sub3A_64 {offsets = [0, 14], sizes = [256, 1], strides = [1, 1]} : vector<256x16xf32> to vector<256x1xf32>
    %exp3A_747 = math.exp %slice3A_746 : vector<256x1xf32>
    %mul3A_748 = vector.broadcast %exp3A_747 : vector<256x1xf32> to vector<256x256xf32>
    %mul3A_749 = arith.mulf %mul3A_748, %slice3A_728 : vector<256x256xf32>
    %add3A_750 = arith.addf %add3A_727, %mul3A_749 : vector<256x256xf32>
    %slice3A_751 = vector.extract_strided_slice %add3A_44 {offsets = [0, 3840], sizes = [256, 256], strides = [1, 1]} : vector<256x4096xf32> to vector<256x256xf32>
    %slice3A_752 = vector.extract_strided_slice %min3A_58 {offsets = [0, 3840], sizes = [256, 256], strides = [1, 1]} : vector<256x4096xf32> to vector<256x256xf32>
    %sub3A_753 = arith.subf %add3A_403, %slice3A_751 : vector<256x256xf32>
    %neg3A_754 = arith.constant 0.000000e+00 : f32
    %neg3A_755 = vector.broadcast %neg3A_754 : f32 to vector<256x256xf32>
    %neg3A_756 = arith.subf %neg3A_755, %slice3A_752 : vector<256x256xf32>
    %exp3A_757 = math.exp %neg3A_756 : vector<256x256xf32>
    %mul3A_758 = arith.mulf %sub3A_753, %exp3A_757 : vector<256x256xf32>
    %mul3A_759 = arith.constant -5.000000e-01 : f32
    %mul3A_760 = vector.broadcast %mul3A_759 : f32 to vector<256x256xf32>
    %mul3A_761 = arith.mulf %mul3A_760, %mul3A_758 : vector<256x256xf32>
    %mul3A_762 = arith.mulf %mul3A_761, %mul3A_758 : vector<256x256xf32>
    %sub3A_763 = arith.subf %mul3A_762, %slice3A_752 : vector<256x256xf32>
    %reduce_sum3A_764 = arith.constant dense<0.000000e+00> : vector<256xf32>
    %reduce_sum3A_765 = vector.multi_reduction <add>, %sub3A_763, %reduce_sum3A_764 [1] : vector<256x256xf32> to vector<256xf32>
    %broadcast_in_dim3A_766 = vector.shape_cast %reduce_sum3A_765 : vector<256xf32> to vector<256x1xf32>
    %slice3A_767 = vector.extract_strided_slice %sub3A_64 {offsets = [0, 15], sizes = [256, 1], strides = [1, 1]} : vector<256x16xf32> to vector<256x1xf32>
    %add3A_768 = arith.addf %slice3A_767, %broadcast_in_dim3A_766 : vector<256x1xf32>
    %slice3A_769 = vector.extract_strided_slice %sub3A_64 {offsets = [0, 15], sizes = [256, 1], strides = [1, 1]} : vector<256x16xf32> to vector<256x1xf32>
    %exp3A_770 = math.exp %slice3A_769 : vector<256x1xf32>
    %mul3A_771 = vector.broadcast %exp3A_770 : vector<256x1xf32> to vector<256x256xf32>
    %mul3A_772 = arith.mulf %mul3A_771, %slice3A_751 : vector<256x256xf32>
    %add3A_773 = arith.addf %add3A_750, %mul3A_772 : vector<256x256xf32>
    %max3A_774 = arith.maximumf %add3A_423, %add3A_446 : vector<256x1xf32>
    %max3A_775 = arith.maximumf %max3A_774, %add3A_469 : vector<256x1xf32>
    %max3A_776 = arith.maximumf %max3A_775, %add3A_492 : vector<256x1xf32>
    %max3A_777 = arith.maximumf %max3A_776, %add3A_515 : vector<256x1xf32>
    %max3A_778 = arith.maximumf %max3A_777, %add3A_538 : vector<256x1xf32>
    %max3A_779 = arith.maximumf %max3A_778, %add3A_561 : vector<256x1xf32>
    %max3A_780 = arith.maximumf %max3A_779, %add3A_584 : vector<256x1xf32>
    %max3A_781 = arith.maximumf %max3A_780, %add3A_607 : vector<256x1xf32>
    %max3A_782 = arith.maximumf %max3A_781, %add3A_630 : vector<256x1xf32>
    %max3A_783 = arith.maximumf %max3A_782, %add3A_653 : vector<256x1xf32>
    %max3A_784 = arith.maximumf %max3A_783, %add3A_676 : vector<256x1xf32>
    %max3A_785 = arith.maximumf %max3A_784, %add3A_699 : vector<256x1xf32>
    %max3A_786 = arith.maximumf %max3A_785, %add3A_722 : vector<256x1xf32>
    %max3A_787 = arith.maximumf %max3A_786, %add3A_745 : vector<256x1xf32>
    %max3A_788 = arith.maximumf %max3A_787, %add3A_768 : vector<256x1xf32>
    %broadcast_in_dim3A_789 = arith.constant 0.000000e+00 : f32
    %broadcast_in_dim3A_790 = vector.broadcast %broadcast_in_dim3A_789 : f32 to vector<256x1xf32>
    %sub3A_791 = arith.subf %add3A_423, %max3A_788 : vector<256x1xf32>
    %exp3A_792 = math.exp %sub3A_791 : vector<256x1xf32>
    %add3A_793 = arith.addf %broadcast_in_dim3A_790, %exp3A_792 : vector<256x1xf32>
    %sub3A_794 = arith.subf %add3A_446, %max3A_788 : vector<256x1xf32>
    %exp3A_795 = math.exp %sub3A_794 : vector<256x1xf32>
    %add3A_796 = arith.addf %add3A_793, %exp3A_795 : vector<256x1xf32>
    %sub3A_797 = arith.subf %add3A_469, %max3A_788 : vector<256x1xf32>
    %exp3A_798 = math.exp %sub3A_797 : vector<256x1xf32>
    %add3A_799 = arith.addf %add3A_796, %exp3A_798 : vector<256x1xf32>
    %sub3A_800 = arith.subf %add3A_492, %max3A_788 : vector<256x1xf32>
    %exp3A_801 = math.exp %sub3A_800 : vector<256x1xf32>
    %add3A_802 = arith.addf %add3A_799, %exp3A_801 : vector<256x1xf32>
    %sub3A_803 = arith.subf %add3A_515, %max3A_788 : vector<256x1xf32>
    %exp3A_804 = math.exp %sub3A_803 : vector<256x1xf32>
    %add3A_805 = arith.addf %add3A_802, %exp3A_804 : vector<256x1xf32>
    %sub3A_806 = arith.subf %add3A_538, %max3A_788 : vector<256x1xf32>
    %exp3A_807 = math.exp %sub3A_806 : vector<256x1xf32>
    %add3A_808 = arith.addf %add3A_805, %exp3A_807 : vector<256x1xf32>
    %sub3A_809 = arith.subf %add3A_561, %max3A_788 : vector<256x1xf32>
    %exp3A_810 = math.exp %sub3A_809 : vector<256x1xf32>
    %add3A_811 = arith.addf %add3A_808, %exp3A_810 : vector<256x1xf32>
    %sub3A_812 = arith.subf %add3A_584, %max3A_788 : vector<256x1xf32>
    %exp3A_813 = math.exp %sub3A_812 : vector<256x1xf32>
    %add3A_814 = arith.addf %add3A_811, %exp3A_813 : vector<256x1xf32>
    %sub3A_815 = arith.subf %add3A_607, %max3A_788 : vector<256x1xf32>
    %exp3A_816 = math.exp %sub3A_815 : vector<256x1xf32>
    %add3A_817 = arith.addf %add3A_814, %exp3A_816 : vector<256x1xf32>
    %sub3A_818 = arith.subf %add3A_630, %max3A_788 : vector<256x1xf32>
    %exp3A_819 = math.exp %sub3A_818 : vector<256x1xf32>
    %add3A_820 = arith.addf %add3A_817, %exp3A_819 : vector<256x1xf32>
    %sub3A_821 = arith.subf %add3A_653, %max3A_788 : vector<256x1xf32>
    %exp3A_822 = math.exp %sub3A_821 : vector<256x1xf32>
    %add3A_823 = arith.addf %add3A_820, %exp3A_822 : vector<256x1xf32>
    %sub3A_824 = arith.subf %add3A_676, %max3A_788 : vector<256x1xf32>
    %exp3A_825 = math.exp %sub3A_824 : vector<256x1xf32>
    %add3A_826 = arith.addf %add3A_823, %exp3A_825 : vector<256x1xf32>
    %sub3A_827 = arith.subf %add3A_699, %max3A_788 : vector<256x1xf32>
    %exp3A_828 = math.exp %sub3A_827 : vector<256x1xf32>
    %add3A_829 = arith.addf %add3A_826, %exp3A_828 : vector<256x1xf32>
    %sub3A_830 = arith.subf %add3A_722, %max3A_788 : vector<256x1xf32>
    %exp3A_831 = math.exp %sub3A_830 : vector<256x1xf32>
    %add3A_832 = arith.addf %add3A_829, %exp3A_831 : vector<256x1xf32>
    %sub3A_833 = arith.subf %add3A_745, %max3A_788 : vector<256x1xf32>
    %exp3A_834 = math.exp %sub3A_833 : vector<256x1xf32>
    %add3A_835 = arith.addf %add3A_832, %exp3A_834 : vector<256x1xf32>
    %sub3A_836 = arith.subf %add3A_768, %max3A_788 : vector<256x1xf32>
    %exp3A_837 = math.exp %sub3A_836 : vector<256x1xf32>
    %add3A_838 = arith.addf %add3A_835, %exp3A_837 : vector<256x1xf32>
    %log3A_839 = math.log %add3A_838 : vector<256x1xf32>
    %add3A_840 = arith.addf %max3A_788, %log3A_839 : vector<256x1xf32>
    %sub3A_841 = arith.constant 235.24826 : f32
    %sub3A_842 = vector.broadcast %sub3A_841 : f32 to vector<256x1xf32>
    %sub3A_843 = arith.subf %add3A_840, %sub3A_842 : vector<256x1xf32>
    %tanh3A = math.tanh %add3A_403 : vector<256x256xf32>
    %tanh3A_844 = math.tanh %tanh3A : vector<256x256xf32>
    %mul3A_845 = arith.mulf %tanh3A_844, %tanh3A_844 : vector<256x256xf32>
    %sub3A_846 = arith.constant 1.000000e+00 : f32
    %sub3A_847 = vector.broadcast %sub3A_846 : f32 to vector<256x256xf32>
    %sub3A_848 = arith.subf %sub3A_847, %mul3A_845 : vector<256x256xf32>
    %add3A_849 = arith.constant 0.00999999977 : f32
    %add3A_850 = vector.broadcast %add3A_849 : f32 to vector<256x256xf32>
    %add3A_851 = arith.addf %sub3A_848, %add3A_850 : vector<256x256xf32>
    %log3A_852 = math.log %add3A_851 : vector<256x256xf32>
    %reduce_sum3A_853 = arith.constant dense<0.000000e+00> : vector<256xf32>
    %reduce_sum3A_854 = vector.multi_reduction <add>, %log3A_852, %reduce_sum3A_853 [1] : vector<256x256xf32> to vector<256xf32>
    %broadcast_in_dim3A_855 = vector.shape_cast %reduce_sum3A_854 : vector<256xf32> to vector<256x1xf32>
    %swap3A = arith.constant 0 : index
    %swap3A_856 = arith.constant 0 : index
    %swap3A_857 = vector.load %arg12[%swap3A, %swap3A_856] : memref<256x256xf32, #tpu.memory_space<vmem>>, vector<256x256xf32>
    tpu.vector_store %arg12[%swap3A, %swap3A_856], %tanh3A {strides = array<i32>} : memref<256x256xf32, #tpu.memory_space<vmem>>, vector<256x256xf32>,
    %sub3A_858 = arith.subf %sub3A_843, %broadcast_in_dim3A_855 : vector<256x1xf32>
    %neg3A_859 = arith.constant 0.000000e+00 : f32
    %neg3A_860 = vector.broadcast %neg3A_859 : f32 to vector<256x1xf32>
    %neg3A_861 = arith.subf %neg3A_860, %sub3A_858 : vector<256x1xf32>
    %swap3A_862 = arith.constant 0 : index
    %swap3A_863 = arith.constant 0 : index
    %swap3A_864 = vector.load %arg13[%swap3A_862, %swap3A_863] : memref<256x1xf32, #tpu.memory_space<vmem>>, vector<256x1xf32>
    tpu.vector_store %arg13[%swap3A_862, %swap3A_863], %neg3A_861 {strides = array<i32>} : memref<256x1xf32, #tpu.memory_space<vmem>>, vector<256x1xf32>,
    %tanh3A_865 = math.tanh %add3A_773 : vector<256x256xf32>
    %swap3A_866 = arith.constant 0 : index
    %swap3A_867 = arith.constant 0 : index
    %swap3A_868 = vector.load %arg14[%swap3A_866, %swap3A_867] : memref<256x256xf32, #tpu.memory_space<vmem>>, vector<256x256xf32>
    tpu.vector_store %arg14[%swap3A_866, %swap3A_867], %tanh3A_865 {strides = array<i32>} : memref<256x256xf32, #tpu.memory_space<vmem>>, vector<256x256xf32>,
    return
  }
  func.func @transform_0(%arg0: i32) -> (i32, i32) {
    %c0_i32 = arith.constant 0 : i32
    %c0_i32_0 = arith.constant 0 : i32
    return %arg0, %c0_i32 : i32, i32
  }
  func.func @transform_1(%arg0: i32) -> (i32, i32) {
    %c0_i32 = arith.constant 0 : i32
    %c0_i32_0 = arith.constant 0 : i32
    return %arg0, %c0_i32 : i32, i32
  }
  func.func @transform_2(%arg0: i32) -> (i32, i32) {
    %c0_i32 = arith.constant 0 : i32
    %c0_i32_0 = arith.constant 0 : i32
    return %arg0, %c0_i32 : i32, i32
  }
  func.func @transform_3(%arg0: i32) -> (i32, i32) {
    %c0_i32 = arith.constant 0 : i32
    %c0_i32_0 = arith.constant 0 : i32
    %c0_i32_1 = arith.constant 0 : i32
    return %c0_i32, %c0_i32_0 : i32, i32
  }
  func.func @transform_4(%arg0: i32) -> (i32, i32) {
    %c0_i32 = arith.constant 0 : i32
    %c0_i32_0 = arith.constant 0 : i32
    %c0_i32_1 = arith.constant 0 : i32
    return %c0_i32, %c0_i32_0 : i32, i32
  }
  func.func @transform_5(%arg0: i32) -> (i32, i32) {
    %c0_i32 = arith.constant 0 : i32
    %c0_i32_0 = arith.constant 0 : i32
    %c0_i32_1 = arith.constant 0 : i32
    return %c0_i32, %c0_i32_0 : i32, i32
  }
  func.func @transform_6(%arg0: i32) -> (i32, i32) {
    %c0_i32 = arith.constant 0 : i32
    %c0_i32_0 = arith.constant 0 : i32
    %c0_i32_1 = arith.constant 0 : i32
    return %c0_i32, %c0_i32_0 : i32, i32
  }
  func.func @transform_7(%arg0: i32) -> (i32, i32) {
    %c0_i32 = arith.constant 0 : i32
    %c0_i32_0 = arith.constant 0 : i32
    %c0_i32_1 = arith.constant 0 : i32
    return %c0_i32, %c0_i32_0 : i32, i32
  }
  func.func @transform_8(%arg0: i32) -> (i32, i32) {
    %c0_i32 = arith.constant 0 : i32
    %c0_i32_0 = arith.constant 0 : i32
    %c0_i32_1 = arith.constant 0 : i32
    return %c0_i32, %c0_i32_0 : i32, i32
  }
  func.func @transform_9(%arg0: i32) -> (i32, i32) {
    %c0_i32 = arith.constant 0 : i32
    %c0_i32_0 = arith.constant 0 : i32
    %c0_i32_1 = arith.constant 0 : i32
    return %c0_i32, %c0_i32_0 : i32, i32
  }
  func.func @transform_10(%arg0: i32) -> (i32, i32) {
    %c0_i32 = arith.constant 0 : i32
    %c0_i32_0 = arith.constant 0 : i32
    %c0_i32_1 = arith.constant 0 : i32
    return %c0_i32, %c0_i32_0 : i32, i32
  }
  func.func @transform_11(%arg0: i32) -> (i32, i32) {
    %c0_i32 = arith.constant 0 : i32
    %c0_i32_0 = arith.constant 0 : i32
    return %arg0, %c0_i32 : i32, i32
  }
  func.func @transform_12(%arg0: i32) -> (i32, i32) {
    %c0_i32 = arith.constant 0 : i32
    %c0_i32_0 = arith.constant 0 : i32
    return %arg0, %c0_i32 : i32, i32
  }
  func.func @transform_13(%arg0: i32) -> (i32, i32) {
    %c0_i32 = arith.constant 0 : i32
    %c0_i32_0 = arith.constant 0 : i32
    return %arg0, %c0_i32 : i32, i32
  }
}

</mosaic_0001>

<sc_bundles>
// kernel: gather_offload_async_start.1
scs
__scs_entry_jumppad:
0x0: {  	(pc) =	sbr.rel $0x88, $3  }
0x1: {  	(tag) =	ssettag $0x0;
	lr =	simm.s32 $0x1  }
0x2: {  	[smem:$0x3F98] =	sst lr;
	_ =	strace $0xD0000000  }
0x3: {  	_ = 	snop  }
0x4: {  	_ = 	snop  }
0x5: {  	_ = 	snop  }
0x6: {  	_ = 	snop  }
0x7: {  	_ = 	snop  }
__scs_overlays_trampoline_lowered:
0x8: {  	[smem:$0x3FA7] =	sst s0  }
0x9: {  	[smem:$0x3FA8] =	sst s1  }
0xa: {  	[smem:$0x3FA9] =	sst s2  }
0xb: {  	[smem:$0x3FAA] =	sst s3  }
0xc: {  	[smem:$0x3FAB] =	sst s4  }
0xd: {  	[smem:$0x3FAC] =	sst s5  }
0xe: {  	[smem:$0x3FAD] =	sst s6  }
0xf: {  	[smem:$0x3FAE] =	sst s7  }
0x10: {  	[smem:$0x3FAF] =	sst s8  }
0x11: {  	[smem:$0x3FB0] =	sst s9;
	s0 =	simm.s32 @!p0 $0x0  }
0x12: {  	s1 =	sld [smem:$0x3F96];
	s0 =	simm.s32 @p0 $0x1  }
0x13: {  	[smem:$0x3FB1] =	sst s0;
	s0 =	simm.s32 @!p1 $0x0  }
0x14: {  	s2 =	sld [smem:$0x3F95];
	s0 =	simm.s32 @p1 $0x1  }
0x15: {  	[smem:$0x3FB2] =	sst s0;
	s0 =	simm.s32 @!p2 $0x0  }
0x16: {  	s3 =	sld [smem:$0x3FDB];
	s0 =	simm.s32 @p2 $0x1  }
0x17: {  	s4 =	simm.s32 $0x1BF5;
	[smem:$0x3FB4] =	sst s0  }
0x18: {  	s0 =	sld [smem:$0x3F97];
	_ =	swait.ge [sflag:s4], $0x0  }
0x19: {  	s7 =	sld [smem:$0x3F98]  }
0x1a: {  	s8 =	sadd.s32 $0xFFFFE003, lr  }
0x1b: {  	s9 =	sadd.s32 $0xFFFFFEF7, lr;
	s5 =	simm.s32 $0xFFFFFFFF;
	p2 =	slt.u32 s8, $0xFFFFF086  }
0x1c: {  	p1 =	slt.u32 s9, $0xF7A;
	s5 =	simm.s32 @!p2 $0x0  }
0x1d: {  	s5 =	simm.s32 @p1 $0x1;
	p0 =	seq.s32 s7, s2  }
0x1e: {  	s7 =	smul.u32 @!p0 $0xF7A, s2;
	p2 =	seq.s32 @!p0 s5, $0x0  }
0x1f: {  	s9 =	smul.u32 $0xF7A, s1;
	s8 =	simm.s32 @!p0 $0x1BF5;
	p2 =	por !p2, p0  }
0x20: {  	[sflag:s8] =	ssyncset.s32 @!p0 $0xFFFFF086;
	s6 =	sadd.s32 @!p0 s3, s7;
	s7 =	simm.s32 @!p0 $0x108  }
0x21: {  	s3 =	sadd.s32 s3, s9;
	s6 =	sadd.s32 @!p0 $0x88, s6;
	s7 =	simm.s32 @p2 $0x1082  }
0x22: {  	[simem:s7], [sflag:s8] =	dma.local @!p0 [hbm:s6], $0xF7A  }
0x23: {  	s9 =	sor.u32 $0xD0000000, s2;
	s6 =	simm.s32 $0x108;
	_ =	swait.ge @!p0 [sflag:s8], $0x0  }
0x24: {  	s3 =	sadd.s32 $0x88, s3;
	s6 =	simm.s32 @!p1 $0x1082;
	[sflag:s4] =	ssyncset.s32 $0xFFFFF086  }
0x25: {  	[simem:s6], [sflag:s4] =	dma.local [hbm:s3], $0xF7A  }
0x26: {  	[smem:$0x3F98] =	sst s1;
	(tag) =	ssettag s2;
	_ =	strace s9  }
0x27: {  	s1 =	sld [smem:$0x3FA8]  }
0x28: {  	s2 =	sld [smem:$0x3FA9]  }
0x29: {  	s4 =	sld [smem:$0x3FAB]  }
0x2a: {  	p0 =	seq.s32 s5, $0x0;
	s5 =	sld [smem:$0x3FAC]  }
0x2b: {  	s6 =	sld [smem:$0x3FAD]  }
0x2c: {  	s7 =	sld [smem:$0x3FAE]  }
0x2d: {  	s3 =	simm.s32 $0x108;
	s8 =	sld [smem:$0x3FAF]  }
0x2e: {  	s3 =	simm.s32 @!p0 $0x1082;
	s9 =	sld [smem:$0x3FB0]  }
0x2f: {  	lr =	sadd.s32 s0, s3;
	s0 =	sld [smem:$0x3FA7]  }
0x30: {  	s3 =	sld [smem:$0x3FAA]  }
0x31: {  	[smem:$0x3FB3] =	sst s10  }
0x32: {  	s10 =	sld [smem:$0x3FB1];
	_ =	sdelay $0x3  }
0x33: {  	p0 =	seq.s32 s10, $0x1;
	s10 =	sld [smem:$0x3FB3];
	_ =	sdelay $0x3  }
0x34: {  	[smem:$0x3FB3] =	sst s10  }
0x35: {  	s10 =	sld [smem:$0x3FB2];
	_ =	sdelay $0x3  }
0x36: {  	p1 =	seq.s32 s10, $0x1;
	s10 =	sld [smem:$0x3FB3];
	_ =	sdelay $0x3  }
0x37: {  	[smem:$0x3FB3] =	sst s10  }
0x38: {  	s10 =	sld [smem:$0x3FB4]  }
0x39: {  	_ = 	snop;
	(pc) =	sbr.ind lr, $3  }
0x3a: {  	_ = 	snop  }
0x3b: {  	_ = 	snop  }
0x3c: {  	p2 =	seq.s32 s10, $0x1;
	s10 =	sld [smem:$0x3FB3]  }
0x3d: {  	_ =	shalt  }
0x3e: {  	_ =	shalt  }
0x3f: {  	_ =	shalt  }
0x40: {  	_ =	shalt  }
0x41: {  	_ =	shalt  }
0x42: {  	_ =	shalt  }
0x43: {  	_ =	shalt  }
0x44: {  	_ =	shalt  }
0x45: {  	_ =	shalt  }
0x46: {  	_ =	shalt  }
0x47: {  	_ =	shalt  }
0x48: {  	_ =	shalt  }
0x49: {  	_ =	shalt  }
0x4a: {  	_ =	shalt  }
0x4b: {  	_ =	shalt  }
0x4c: {  	_ =	shalt  }
0x4d: {  	_ =	shalt  }
0x4e: {  	_ =	shalt  }
0x4f: {  	_ =	shalt  }
0x50: {  	_ =	shalt  }
0x51: {  	_ =	shalt  }
0x52: {  	_ =	shalt  }
0x53: {  	_ =	shalt  }
0x54: {  	_ =	shalt  }
0x55: {  	_ =	shalt  }
0x56: {  	_ =	shalt  }
0x57: {  	_ =	shalt  }
0x58: {  	_ =	shalt  }
0x59: {  	_ =	shalt  }
0x5a: {  	_ =	shalt  }
0x5b: {  	_ =	shalt  }
0x5c: {  	_ =	shalt  }
0x5d: {  	_ =	shalt  }
0x5e: {  	_ =	shalt  }
0x5f: {  	_ =	shalt  }
0x60: {  	_ =	shalt  }
0x61: {  	_ =	shalt  }
0x62: {  	_ =	shalt  }
0x63: {  	_ =	shalt  }
0x64: {  	_ =	shalt  }
0x65: {  	_ =	shalt  }
0x66: {  	_ =	shalt  }
0x67: {  	_ =	shalt  }
0x68: {  	_ =	shalt  }
0x69: {  	_ =	shalt  }
0x6a: {  	_ =	shalt  }
0x6b: {  	_ =	shalt  }
0x6c: {  	_ =	shalt  }
0x6d: {  	_ =	shalt  }
0x6e: {  	_ =	shalt  }
0x6f: {  	_ =	shalt  }
0x70: {  	_ =	shalt  }
0x71: {  	_ =	shalt  }
0x72: {  	_ =	shalt  }
0x73: {  	_ =	shalt  }
0x74: {  	_ =	shalt  }
0x75: {  	_ =	shalt  }
0x76: {  	_ =	shalt  }
0x77: {  	_ =	shalt  }
0x78: {  	_ =	shalt  }
0x79: {  	_ =	shalt  }
0x7a: {  	_ =	shalt  }
0x7b: {  	_ =	shalt  }
0x7c: {  	_ =	shalt  }
0x7d: {  	_ =	shalt  }
0x7e: {  	_ =	shalt  }
0x7f: {  	_ =	shalt  }
0x80: {  	_ =	shalt  }
0x81: {  	_ =	shalt  }
0x82: {  	_ =	shalt  }
0x83: {  	_ =	shalt  }
0x84: {  	_ =	shalt  }
0x85: {  	_ =	shalt  }
0x86: {  	_ =	shalt  }
0x87: {  	_ =	shalt  }
.Lfunc_end0:
.L_simem_size_0:
called_computation.2_lowered:
.L_overlay_start_0:
0x88: {  	s0 =	sld [smem:$0x3FD9]  }
0x89: {  	s1 =	sld [smem:$0x3FFE];
	_ =	sdelay $0x3  }
0x8a: {  	s0 =	sadd.s32 s1, s0  }
0x8b: {  	[smem:$0x3FBF] =	sst s0  }
0x8c: {  	_ = 	snop  }
0x8d: {  	s0 =	sld [smem:$0x3FD0];
	_ =	sdelay $0x2  }
0x8e: {  	s2 =	simm.s32 $0xB;
	s3 =	simm.s32 $0x10;
	s14 =	sld [smem:$0x3FC1]  }
0x8f: {  	[smem:s3], [sflag:s2] =	dma.local [hbm:s0], $0x1  }
0x90: {  	_ =	swait.eq [sflag:s2], $0x1  }
0x91: {  	[sflag:s2] =	ssyncset.done $0x0  }
0x92: {  	s15 =	sld [smem:$0x10];
	[sflag:s2] =	ssyncadd.s32 $0xFFFFFFFF  }
0x93: {  	s16 =	sld [smem:$0x12];
	(tm) =	ssettm $0x1  }
0x94: {  	s17 =	sld [smem:$0x3FFB];
	_ =	sdelay $0x3  }
0x95: {  	_ =	strace s17  }
0x96: {  	s3 =	sld [smem:$0x3FFC];
	_ =	sdelay $0x3  }
0x97: {  	_ =	strace s3  }
0x98: {  	s3 =	sld [smem:$0x3FFD];
	_ =	sdelay $0x3  }
0x99: {  	_ =	strace s3  }
0x9a: {  	_ =	strace $0x8FFFFFFF  }
0x9b: {  	s18 =	sld [smem:$0x3FDB];
	_ =	sdelay $0x1  }
0x9c: {  	s4 =	simm.s32 $_scs_section_size  }
0x9d: {  	s5 =	simm.s32 $_size__tile_overlayer_lowered;
	s6 =	simm.s32 $_tile_overlayer_lowered  }
0x9e: {  	s21 =	simm.s32 $0x1BFF;
	s20 =	sshll.u32 s6, $0x1;
	s3 =	sadd.s32 s4, s18  }
0x9f: {  	s7 =	simm.s32 $0x0;
	s19 =	sshll.u32 s5, $0x1;
	s5 =	sadd.s32 s20, s3  }
0xa0: {  	[timem:s7], [sflag:s21] =	dma.local [hbm:s5], s19  }
0xa1: {  	_ =	swait.ge [sflag:s21], s19  }
0xa2: {  	s4 =	ssub.s32 $0x0, s19;
	[sflag:s21] =	ssyncset.done $0x0  }
0xa3: {  	[sflag:s21] =	ssyncadd.s32 s4;
	_ =	sdelay $0x1  }
0xa4: {  	s22 =	simm.s32 $0x1B8B  }
0xa5: {  	_ =	swait.ge [sflag:s22], $0x1  }
0xa6: {  	[sflag:s22] =	ssyncset.done $0x0  }
0xa7: {  	s23 =	simm.s32 $0x1B8E;
	[sflag:s22] =	ssyncadd.s32 $0xFFFFFFFF  }
0xa8: {  	s24 =	simm.s32 $execute0_lowered;
	[smem:$0x3FD2] =	sst s23  }
0xa9: {  	s4 =	sshll.u32 s24, $0x1;
	_ =	strace $0x80000049;
	[dreg:$0x1] =	wrdreg $0xFFFFFFFF  }
0xaa: {  	s25 =	simm.s32 $_size_execute0_lowered;
	s3 =	sadd.s32 s3, s4;
	[dreg:$0x0] =	wrdreg $0x0  }
0xab: {  	s4 =	sshll.u32 s25, $0x1;
	[dreg:$0x2] =	wrdreg s3  }
0xac: {  	[dreg:$0x3] =	wrdreg s4  }
0xad: {  	[dreg:$0x4] =	wrdreg $0xC0  }
0xae: {  	_ =	task [dreg:s7], $0x5FFFF  }
0xaf: {  	[dreg:$0x1] =	wrdreg $0xFFFFFFFF  }
0xb0: {  	[dreg:$0x0] =	wrdreg $0x60  }
0xb1: {  	[dreg:$0x2] =	wrdreg s14  }
0xb2: {  	[dreg:$0x3] =	wrdreg s16  }
0xb3: {  	[dreg:$0x4] =	wrdreg s15  }
0xb4: {  	[dreg:$0x5] =	wrdreg $0x9  }
0xb5: {  	_ =	task.clear_ibuf [dreg:s7], $0x6FFFF;
	_ =	strace $0x90000049  }
0xb6: {  	s26 =	simm.s32 $0x9;
	_ =	strace $0x8000004B  }
0xb7: {  	_ =	swait.ge [sflag:s26], $0x1  }
0xb8: {  	[sflag:s26] =	ssyncadd.s32 $0xFFFFFFFF  }
0xb9: {  	_ =	strace $0x9000004B  }
0xba: {  	_ =	sfence  }
0xbb: {  	s28 =	sld [smem:$0x0];
	_ =	sdelay $0x1  }
0xbc: {  	s29 =	srdreg.scid  }
0xbd: {  	s30 =	sshll.u32 s29, $0xD;
	s31 =	sshrl.u32 s29, $0x2  }
0xbe: {  	s1 =	sand.u32 $0x1, s29;
	s2 =	sand.u32 $0x4000, s30;
	s0 =	sadd.s32 s31, s28  }
0xbf: {  	s1 =	sor.u32 s2, s1;
	s0 =	sshll.u32 s0, $0x11  }
0xc0: {  	s0 =	sor.u32 s0, s1  }
0xc1: {  	s0 =	sadd.s32 $0x8F2B, s0  }
0xc2: {  	[sflag:s0] =	ssyncadd.remote.s32 $0x1  }
0xc3: {  	_ =	sfence.sel $0xFFFF  }
0xc4: {  	[dreg:$0x0] =	wrdreg $0xFFFFFFFF;
	(pc) =	sbr.abs _section_cstart, $3  }
0xc5: {  	[dreg:$0x1] =	wrdreg $0xFFFFFFFF  }
0xc6: {  	_ =	task.clear_ibuf [dreg:s7], $0x2FFFF;
	_ =	strace $0x9FFFFFFF  }
0xc7: {  	(tm) =	ssettm $0x7FFFFFFF  }
tec
execute0_lowered:
.L_overlay_start_1:
0x0: {  	(tag) =	ssettag $0x1  }
0x1: {  	s2 =	rddreg [dreg:$0x0]  }
0x2: {  	s3 =	rddreg [dreg:$0x1]  }
0x3: {  	s4 =	rddreg [dreg:$0x2]  }
0x4: {  	s0 =	rddreg [dreg:$0x3];
	_ =	strace $0x8000004A  }
0x5: {  	s5 =	simm.s32 $0x1;
	s1 =	stileid.u32;
	s8 =	simm.s32 $0x1  }
0x6: {  	s9 =	simm.s32 $0x1;
	s7 =	simm.s32 $0x2;
	s10 =	simm.s32 $0x3  }
.Ltmp0:
0x7: {  	s13 =	simm.s32 $0x0;
	p0 =	slt.u32 s1, $0x4;
	(pc) =	sbr.rel .LBB2_1-.Ltmp0, $4  }
0x8: {  	[sflag:s5] =	ssyncpa.u1 $0x0;
	s8 =	simm.s32 @!p0 $0x0;
	p0 =	sne.s32 s1, $0x3  }
0x9: {  	s6 =	smul.u32 $0x1B0, s1;
	[sflag:s7] =	ssyncpa.u1 $0x0;
	s9 =	simm.s32 @!p0 $0x0  }
0xa: {  	s12 =	simm.s32 $0x0;
	[sflag:s10] =	ssyncpa.u1 $0x0;
	s8 =	sadd.s32 s9, s8  }
0xb: {  	vm0 =	vmmov $0xffff;
	s10 =	simm.s32 $0x0;
	s11 =	smov.u32 s6;
	s9 =	sadd.s32 $0x1, s8  }
.LBB2_4:
0xc: {  	v2 =	vnsel vm1, $0x0, v2  }
0xd: {  	vm1 =	vgt.s32 v0, $0x0;
	v2 =	vmin.u32 v2, $0x200F  }
0xe: {  	v0 =	vnsel vm1, $0x0, v0  }
0xf: {  	v0 =	vmin.u32 v0, $0x200F  }
0x10: {  	[tilespmem:s18], [sflag:$0x1] =	stream.indirect_vreg.gather [hbm4b:s2+s10], $0x1, v1, vm0, $0x4038;
	[tilespmem:$0x6C0] =	vst v63  }
0x11: {  	(ifvalue) =	ssetifvalue $0x7FFFFFFF  }
0x12: {  	[tilespmem:s15], [sflag:$0x1] =	stream.indirect_vreg.gather [hbm4b:s2+s10], $0x1, v2, vm0, $0x4038;
	[tilespmem:$0x6C0] =	vst v63  }
0x13: {  	s29 =	sadd.s32 $0x10, s15;
	(ifvalue) =	ssetifvalue $0x7FFFFFFF  }
0x14: {  	[tilespmem:s29], [sflag:$0x1] =	stream.indirect_vreg.gather [hbm4b:s2+s10], $0x1, v0, vm0, $0x4038;
	[tilespmem:$0x6C0] =	vst v63  }
0x15: {  	_ =	swait.ge [sflag:s5], $0x1B0  }
0x16: {  	s30 =	sshrl.u32 s13, $0x3;
	[sflag:s5] =	ssyncset.done $0x0  }
0x17: {  	s31 =	sand.u32 $0x7, s13;
	s15 =	sadd.s32 s4, s30;
	[sflag:s5] =	ssyncadd.s32 $0xFFFFFE50  }
0x18: {  	[hbm4b:s15+s31] =	stream.linear.scatter [tilespmem:s14], [sflag:$0x3], $0x1B0, $0x38;
	[tilespmem:$0x6C0] =	vst v63  }
.LBB2_5:
0x19: {  	s15 =	sadd.s32 $0x1B00, s11  }
0x1a: {  	p1 =	sgt.s32 s15, $0x200F  }
0x1b: {  	s15 =	smov.u32 @p1 s6;
	p1 =	sne.s32 s12, s9  }
.Ltmp1:
0x1c: {  	p0 =	slt.u32 s12, $0x2;
	(pc) =	sbr.rel @!p1 .LBB2_6-.Ltmp1, $4  }
0x1d: {  	s14 =	simm.s32 @!p0 $0x3  }
0x1e: {  	_ =	swait.ge @!p0 [sflag:s14], $0x1B0  }
0x1f: {  	s16 =	sadd.s32 $0x1, s12;
	s13 =	smov.u32 s11;
	[sflag:s14] =	ssyncset.done @!p0 $0x0  }
0x20: {  	s12 =	smov.u32 s16;
	s11 =	smov.u32 s15;
	[sflag:s14] =	ssyncadd.s32 @!p0 $0xFFFFFE50  }
.LBB2_1:
0x21: {  	p0 =	sge.u32 s12, s8  }
0x22: {  	s14 =	sxor.u32 @!p0 $0x1, s12  }
0x23: {  	s14 =	smul.u32 @!p0 $0x6C0, s14  }
0x24: {  	s31 =	sadd.s32 $0xFFFFFFFF, s12;
	s15 =	sshrl.u32 @!p0 s11, $0x3  }
0x25: {  	s16 =	sand.u32 @!p0 $0x7, s11;
	s15 =	sadd.s32 @!p0 s3, s15;
	s14 =	sshra.s32 @!p0 s14, $0x2  }
0x26: {  	[tilespmem:s14], [sflag:$0x2] =	stream.linear.gather @!p0 [hbm4b:s15+s16], $0x1B0, $0x38;
	[tilespmem:$0x6C0] =	vst v63  }
0x27: {  	p0 =	sge.u32 s31, s8  }
.Ltmp2:
0x28: {  	_ = 	snop;
	(pc) =	sbr.rel @p0 .LBB2_5-.Ltmp2, $1  }
0x29: {  	_ =	sdelay $0x3  }
0x2a: {  	s14 =	sand.u32 $0x1, s12  }
0x2b: {  	_ =	swait.ge [sflag:s7], $0x1B0;
	p0 =	seq.s32 s14, $0x1;
	s14 =	simm.s32 $0x1B0  }
0x2c: {  	[sflag:s7] =	ssyncset.done $0x0;
	s14 =	simm.s32 @!p0 $0x0  }
0x2d: {  	[sflag:s7] =	ssyncadd.s32 $0xFFFFFE50;
	(ifvalue) =	ssetifvalue $0x7FFFFFFF;
	v0 =	vld.msk [tilespmem:s14+$0x0 ss:$0x1], $0xffff;
	_ =	sdelay $0x4  }
0x2e: {  	s15 =	sadd.s32 $0x10, s14;
	vm1 =	vgt.s32 v0, $0x0  }
0x2f: {  	v2 =	vld.msk [tilespmem:s15+$0x0 ss:$0x1], $0xffff;
	v1 =	vnsel vm1, $0x0, v0  }
0x30: {  	v1 =	vmin.u32 v1, $0x200F;
	_ =	sdelay $0x2  }
0x31: {  	s17 =	simm.s32 $0x20;
	s14 =	sadd.s32 $0x360, s14;
	s16 =	sadd.s32 $0x10, s15  }
0x32: {  	s15 =	sadd.s32 $0x10, s14;
	s18 =	smov.u32 s14;
	v0 =	vld.msk [tilespmem:s16+$0x0 ss:$0x1], $0xffff;
	vm1 =	vgt.s32 v2, $0x0;
	(ifvalue) =	ssetifvalue $0x7FFFFFFF  }
.LBB2_3:
0x33: {  	[tilespmem:s18], [sflag:$0x1] =	stream.indirect_vreg.gather [hbm4b:s2+s10], $0x1, v1, vm0, $0x4038;
	[tilespmem:$0x6C0] =	vst v63  }
0x34: {  	s17 =	sadd.s32 $0x10, s17  }
0x35: {  	v2 =	vnsel vm1, $0x0, v2;
	p0 =	slt.u32 s17, $0x1A0  }
.Ltmp3:
0x36: {  	s18 =	smov.u32 s15;
	v1 =	vmin.u32 v2, $0x200F;
	(pc) =	sbr.rel @p0 .LBB2_3-.Ltmp3, $3  }
0x37: {  	_ =	sdelay $0x1  }
0x38: {  	s16 =	sadd.s32 $0x10, s16  }
0x39: {  	vm1 =	vgt.s32 v0, $0x0;
	s15 =	sadd.s32 $0x10, s15;
	v2 =	vmov v0;
	(ifvalue) =	ssetifvalue $0x7FFFFFFF;
	v0 =	vld.msk [tilespmem:s16+$0x0 ss:$0x1], $0xffff  }
.Ltmp4:
0x3a: {  	_ = 	snop;
	(pc) =	sbr.rel .LBB2_4-.Ltmp4, $1  }
0x3b: {  	_ =	sdelay $0x3  }
.LBB2_6:
0x3c: {  	_ =	sfence.sel $0x180000  }
0x3d: {  	s2 =	simm.s32 $0x2;
	[bflag:$0x0] =	sbarrier.arrive $0xFFFF  }
0x3e: {  	s30 =	simm.s32 $0x3;
	[sflag:s2] =	ssyncpa.u1 $0x1  }
0x3f: {  	s31 =	simm.s32 $0x1;
	[sflag:s30] =	ssyncpa.u1 $0x1  }
0x40: {  	[sflag:s31] =	ssyncpa.u1 $0x1  }
0x41: {  	p0 =	sne.s32 s1, $0x0;
	_ =	strace $0x9000004A  }
0x42: {  	s0 =	sadd.s32 @!p0 $0x100000, s0;
	[bflag:$0x2] =	sbarrier.arrive $0xFFFF  }
0x43: {  	[sflag:s0] =	ssyncadd.tile.s32 @!p0 $0x1;
	_ =	shalt  }
.Lfunc_end2:
_tile_overlayer_lowered:
.L_overlay_start_2:
0x44: {  	(tag) =	ssettag $0x2  }
0x45: {  	s0 =	rddreg [dreg:$0x0];
	s2 =	stileid.u32  }
0x46: {  	s1 =	rddreg [dreg:$0x1];
	p0 =	sne.s32 s2, $0x0  }
0x47: {  	s3 =	rddreg [dreg:$0x2];
	[bflag:$0x3] =	sbarrier.arrive $0xFFFF;
	s2 =	simm.s32 @!p0 $0x1C01  }
0x48: {  	[timem:s3], [sflag:s2] =	dma.local @!p0 [hbm:s0], s1  }
0x49: {  	s0 =	simm.s32 @!p0 $0x1  }
0x4a: {  	_ =	swait.ge @!p0 [sflag:s0], s1  }
0x4b: {  	s1 =	ssub.s32 @!p0 $0x0, s1;
	[sflag:s0] =	ssyncset.done @!p0 $0x0  }
0x4c: {  	[sflag:s0] =	ssyncadd.s32 @!p0 s1  }
0x4d: {  	[bflag:$0x3] =	sbarrier.arrive $0xFFFF  }
0x4e: {  	_ =	shalt  }

// kernel: gather_offload_async_start
scs
__scs_entry_jumppad:
0x0: {  	(pc) =	sbr.rel $0x88, $3  }
0x1: {  	(tag) =	ssettag $0x0;
	lr =	simm.s32 $0x1  }
0x2: {  	[smem:$0x3F98] =	sst lr;
	_ =	strace $0xD0000000  }
0x3: {  	_ = 	snop  }
0x4: {  	_ = 	snop  }
0x5: {  	_ = 	snop  }
0x6: {  	_ = 	snop  }
0x7: {  	_ = 	snop  }
__scs_overlays_trampoline_lowered:
0x8: {  	[smem:$0x3FA7] =	sst s0  }
0x9: {  	[smem:$0x3FA8] =	sst s1  }
0xa: {  	[smem:$0x3FA9] =	sst s2  }
0xb: {  	[smem:$0x3FAA] =	sst s3  }
0xc: {  	[smem:$0x3FAB] =	sst s4  }
0xd: {  	[smem:$0x3FAC] =	sst s5  }
0xe: {  	[smem:$0x3FAD] =	sst s6  }
0xf: {  	[smem:$0x3FAE] =	sst s7  }
0x10: {  	[smem:$0x3FAF] =	sst s8  }
0x11: {  	[smem:$0x3FB0] =	sst s9;
	s0 =	simm.s32 @!p0 $0x0  }
0x12: {  	s1 =	sld [smem:$0x3F96];
	s0 =	simm.s32 @p0 $0x1  }
0x13: {  	[smem:$0x3FB1] =	sst s0;
	s0 =	simm.s32 @!p1 $0x0  }
0x14: {  	s2 =	sld [smem:$0x3F95];
	s0 =	simm.s32 @p1 $0x1  }
0x15: {  	[smem:$0x3FB2] =	sst s0;
	s0 =	simm.s32 @!p2 $0x0  }
0x16: {  	s3 =	sld [smem:$0x3FDB];
	s0 =	simm.s32 @p2 $0x1  }
0x17: {  	s4 =	simm.s32 $0x1BF5;
	[smem:$0x3FB4] =	sst s0  }
0x18: {  	s0 =	sld [smem:$0x3F97];
	_ =	swait.ge [sflag:s4], $0x0  }
0x19: {  	s7 =	sld [smem:$0x3F98]  }
0x1a: {  	s8 =	sadd.s32 $0xFFFFE003, lr  }
0x1b: {  	s9 =	sadd.s32 $0xFFFFFEF7, lr;
	s5 =	simm.s32 $0xFFFFFFFF;
	p2 =	slt.u32 s8, $0xFFFFF086  }
0x1c: {  	p1 =	slt.u32 s9, $0xF7A;
	s5 =	simm.s32 @!p2 $0x0  }
0x1d: {  	s5 =	simm.s32 @p1 $0x1;
	p0 =	seq.s32 s7, s2  }
0x1e: {  	s7 =	smul.u32 @!p0 $0xF7A, s2;
	p2 =	seq.s32 @!p0 s5, $0x0  }
0x1f: {  	s9 =	smul.u32 $0xF7A, s1;
	s8 =	simm.s32 @!p0 $0x1BF5;
	p2 =	por !p2, p0  }
0x20: {  	[sflag:s8] =	ssyncset.s32 @!p0 $0xFFFFF086;
	s6 =	sadd.s32 @!p0 s3, s7;
	s7 =	simm.s32 @!p0 $0x108  }
0x21: {  	s3 =	sadd.s32 s3, s9;
	s6 =	sadd.s32 @!p0 $0x88, s6;
	s7 =	simm.s32 @p2 $0x1082  }
0x22: {  	[simem:s7], [sflag:s8] =	dma.local @!p0 [hbm:s6], $0xF7A  }
0x23: {  	s9 =	sor.u32 $0xD0000000, s2;
	s6 =	simm.s32 $0x108;
	_ =	swait.ge @!p0 [sflag:s8], $0x0  }
0x24: {  	s3 =	sadd.s32 $0x88, s3;
	s6 =	simm.s32 @!p1 $0x1082;
	[sflag:s4] =	ssyncset.s32 $0xFFFFF086  }
0x25: {  	[simem:s6], [sflag:s4] =	dma.local [hbm:s3], $0xF7A  }
0x26: {  	[smem:$0x3F98] =	sst s1;
	(tag) =	ssettag s2;
	_ =	strace s9  }
0x27: {  	s1 =	sld [smem:$0x3FA8]  }
0x28: {  	s2 =	sld [smem:$0x3FA9]  }
0x29: {  	s4 =	sld [smem:$0x3FAB]  }
0x2a: {  	p0 =	seq.s32 s5, $0x0;
	s5 =	sld [smem:$0x3FAC]  }
0x2b: {  	s6 =	sld [smem:$0x3FAD]  }
0x2c: {  	s7 =	sld [smem:$0x3FAE]  }
0x2d: {  	s3 =	simm.s32 $0x108;
	s8 =	sld [smem:$0x3FAF]  }
0x2e: {  	s3 =	simm.s32 @!p0 $0x1082;
	s9 =	sld [smem:$0x3FB0]  }
0x2f: {  	lr =	sadd.s32 s0, s3;
	s0 =	sld [smem:$0x3FA7]  }
0x30: {  	s3 =	sld [smem:$0x3FAA]  }
0x31: {  	[smem:$0x3FB3] =	sst s10  }
0x32: {  	s10 =	sld [smem:$0x3FB1];
	_ =	sdelay $0x3  }
0x33: {  	p0 =	seq.s32 s10, $0x1;
	s10 =	sld [smem:$0x3FB3];
	_ =	sdelay $0x3  }
0x34: {  	[smem:$0x3FB3] =	sst s10  }
0x35: {  	s10 =	sld [smem:$0x3FB2];
	_ =	sdelay $0x3  }
0x36: {  	p1 =	seq.s32 s10, $0x1;
	s10 =	sld [smem:$0x3FB3];
	_ =	sdelay $0x3  }
0x37: {  	[smem:$0x3FB3] =	sst s10  }
0x38: {  	s10 =	sld [smem:$0x3FB4]  }
0x39: {  	_ = 	snop;
	(pc) =	sbr.ind lr, $3  }
0x3a: {  	_ = 	snop  }
0x3b: {  	_ = 	snop  }
0x3c: {  	p2 =	seq.s32 s10, $0x1;
	s10 =	sld [smem:$0x3FB3]  }
0x3d: {  	_ =	shalt  }
0x3e: {  	_ =	shalt  }
0x3f: {  	_ =	shalt  }
0x40: {  	_ =	shalt  }
0x41: {  	_ =	shalt  }
0x42: {  	_ =	shalt  }
0x43: {  	_ =	shalt  }
0x44: {  	_ =	shalt  }
0x45: {  	_ =	shalt  }
0x46: {  	_ =	shalt  }
0x47: {  	_ =	shalt  }
0x48: {  	_ =	shalt  }
0x49: {  	_ =	shalt  }
0x4a: {  	_ =	shalt  }
0x4b: {  	_ =	shalt  }
0x4c: {  	_ =	shalt  }
0x4d: {  	_ =	shalt  }
0x4e: {  	_ =	shalt  }
0x4f: {  	_ =	shalt  }
0x50: {  	_ =	shalt  }
0x51: {  	_ =	shalt  }
0x52: {  	_ =	shalt  }
0x53: {  	_ =	shalt  }
0x54: {  	_ =	shalt  }
0x55: {  	_ =	shalt  }
0x56: {  	_ =	shalt  }
0x57: {  	_ =	shalt  }
0x58: {  	_ =	shalt  }
0x59: {  	_ =	shalt  }
0x5a: {  	_ =	shalt  }
0x5b: {  	_ =	shalt  }
0x5c: {  	_ =	shalt  }
0x5d: {  	_ =	shalt  }
0x5e: {  	_ =	shalt  }
0x5f: {  	_ =	shalt  }
0x60: {  	_ =	shalt  }
0x61: {  	_ =	shalt  }
0x62: {  	_ =	shalt  }
0x63: {  	_ =	shalt  }
0x64: {  	_ =	shalt  }
0x65: {  	_ =	shalt  }
0x66: {  	_ =	shalt  }
0x67: {  	_ =	shalt  }
0x68: {  	_ =	shalt  }
0x69: {  	_ =	shalt  }
0x6a: {  	_ =	shalt  }
0x6b: {  	_ =	shalt  }
0x6c: {  	_ =	shalt  }
0x6d: {  	_ =	shalt  }
0x6e: {  	_ =	shalt  }
0x6f: {  	_ =	shalt  }
0x70: {  	_ =	shalt  }
0x71: {  	_ =	shalt  }
0x72: {  	_ =	shalt  }
0x73: {  	_ =	shalt  }
0x74: {  	_ =	shalt  }
0x75: {  	_ =	shalt  }
0x76: {  	_ =	shalt  }
0x77: {  	_ =	shalt  }
0x78: {  	_ =	shalt  }
0x79: {  	_ =	shalt  }
0x7a: {  	_ =	shalt  }
0x7b: {  	_ =	shalt  }
0x7c: {  	_ =	shalt  }
0x7d: {  	_ =	shalt  }
0x7e: {  	_ =	shalt  }
0x7f: {  	_ =	shalt  }
0x80: {  	_ =	shalt  }
0x81: {  	_ =	shalt  }
0x82: {  	_ =	shalt  }
0x83: {  	_ =	shalt  }
0x84: {  	_ =	shalt  }
0x85: {  	_ =	shalt  }
0x86: {  	_ =	shalt  }
0x87: {  	_ =	shalt  }
.Lfunc_end0:
.L_simem_size_0:
called_computation.1_lowered:
.L_overlay_start_0:
0x88: {  	s0 =	sld [smem:$0x3FD9]  }
0x89: {  	s1 =	sld [smem:$0x3FFE];
	_ =	sdelay $0x3  }
0x8a: {  	s0 =	sadd.s32 s1, s0  }
0x8b: {  	[smem:$0x3FBF] =	sst s0  }
0x8c: {  	_ = 	snop  }
0x8d: {  	s0 =	sld [smem:$0x3FD0];
	_ =	sdelay $0x2  }
0x8e: {  	s2 =	simm.s32 $0xB;
	s3 =	simm.s32 $0x10;
	s13 =	sld [smem:$0x3FC2]  }
0x8f: {  	[smem:s3], [sflag:s2] =	dma.local [hbm:s0], $0x1  }
0x90: {  	_ =	swait.eq [sflag:s2], $0x1  }
0x91: {  	[sflag:s2] =	ssyncset.done $0x0  }
0x92: {  	[sflag:s2] =	ssyncadd.s32 $0xFFFFFFFF  }
0x93: {  	s14 =	sld [smem:$0x12];
	(tm) =	ssettm $0x1  }
0x94: {  	s15 =	sld [smem:$0x3FFB];
	_ =	sdelay $0x3  }
0x95: {  	_ =	strace s15  }
0x96: {  	s2 =	sld [smem:$0x3FFC];
	_ =	sdelay $0x3  }
0x97: {  	_ =	strace s2  }
0x98: {  	s2 =	sld [smem:$0x3FFD];
	_ =	sdelay $0x3  }
0x99: {  	_ =	strace s2  }
0x9a: {  	_ =	strace $0x8FFFFFFF  }
0x9b: {  	s16 =	sld [smem:$0x3FDB];
	_ =	sdelay $0x1  }
0x9c: {  	s17 =	simm.s32 $_scs_section_size  }
0x9d: {  	s4 =	simm.s32 $_size__tile_overlayer_lowered;
	s5 =	simm.s32 $_tile_overlayer_lowered  }
0x9e: {  	s20 =	simm.s32 $0x1BFF;
	s19 =	sshll.u32 s5, $0x1;
	s2 =	sadd.s32 s17, s16  }
0x9f: {  	s6 =	simm.s32 $0x0;
	s18 =	sshll.u32 s4, $0x1;
	s4 =	sadd.s32 s19, s2  }
0xa0: {  	[timem:s6], [sflag:s20] =	dma.local [hbm:s4], s18  }
0xa1: {  	_ =	swait.ge [sflag:s20], s18  }
0xa2: {  	s3 =	ssub.s32 $0x0, s18;
	[sflag:s20] =	ssyncset.done $0x0  }
0xa3: {  	[sflag:s20] =	ssyncadd.s32 s3;
	_ =	sdelay $0x1  }
0xa4: {  	s21 =	simm.s32 $0x1B8B  }
0xa5: {  	_ =	swait.ge [sflag:s21], $0x1  }
0xa6: {  	[sflag:s21] =	ssyncset.done $0x0  }
0xa7: {  	s23 =	simm.s32 $0x1B8E;
	s22 =	sld [smem:$0x3FFE];
	[sflag:s21] =	ssyncadd.s32 $0xFFFFFFFF  }
0xa8: {  	s24 =	simm.s32 $execute0_lowered;
	[smem:$0x3FD2] =	sst s23  }
0xa9: {  	s4 =	sshll.u32 s24, $0x1;
	_ =	strace $0x80000046;
	[dreg:$0x1] =	wrdreg $0xFFFFFFFF  }
0xaa: {  	s25 =	simm.s32 $_size_execute0_lowered;
	s2 =	sadd.s32 s2, s4;
	[dreg:$0x0] =	wrdreg $0x0  }
0xab: {  	s4 =	sshll.u32 s25, $0x1;
	[dreg:$0x2] =	wrdreg s2  }
0xac: {  	[dreg:$0x3] =	wrdreg s4  }
0xad: {  	[dreg:$0x4] =	wrdreg $0xC0  }
0xae: {  	_ =	task [dreg:s6], $0x5FFFF  }
0xaf: {  	[dreg:$0x1] =	wrdreg $0xFFFFFFFF  }
0xb0: {  	[dreg:$0x0] =	wrdreg $0x60  }
0xb1: {  	[dreg:$0x2] =	wrdreg s13  }
0xb2: {  	[dreg:$0x3] =	wrdreg s14  }
0xb3: {  	[dreg:$0x4] =	wrdreg s22  }
0xb4: {  	[dreg:$0x5] =	wrdreg $0xA  }
0xb5: {  	_ =	task.clear_ibuf [dreg:s6], $0x6FFFF;
	_ =	strace $0x90000046  }
0xb6: {  	s26 =	simm.s32 $0xA;
	_ =	strace $0x80000048  }
0xb7: {  	_ =	swait.ge [sflag:s26], $0x1  }
0xb8: {  	[sflag:s26] =	ssyncadd.s32 $0xFFFFFFFF  }
0xb9: {  	_ =	strace $0x90000048  }
0xba: {  	_ =	sfence  }
0xbb: {  	s28 =	sld [smem:$0x0];
	_ =	sdelay $0x1  }
0xbc: {  	s29 =	srdreg.scid  }
0xbd: {  	s30 =	sshll.u32 s29, $0xD;
	s31 =	sshrl.u32 s29, $0x2  }
0xbe: {  	s1 =	sand.u32 $0x1, s29;
	s2 =	sand.u32 $0x4000, s30;
	s0 =	sadd.s32 s31, s28  }
0xbf: {  	s1 =	sor.u32 s2, s1;
	s0 =	sshll.u32 s0, $0x11  }
0xc0: {  	s0 =	sor.u32 s0, s1  }
0xc1: {  	s0 =	sadd.s32 $0x8F2B, s0  }
0xc2: {  	[sflag:s0] =	ssyncadd.remote.s32 $0x1  }
0xc3: {  	_ =	sfence.sel $0xFFFF  }
0xc4: {  	[dreg:$0x0] =	wrdreg $0xFFFFFFFF;
	(pc) =	sbr.abs _section_cstart, $3  }
0xc5: {  	[dreg:$0x1] =	wrdreg $0xFFFFFFFF  }
0xc6: {  	_ =	task.clear_ibuf [dreg:s6], $0x2FFFF;
	_ =	strace $0x9FFFFFFF  }
0xc7: {  	(tm) =	ssettm $0x7FFFFFFF  }
tec
execute0_lowered:
.L_overlay_start_1:
0x0: {  	(tag) =	ssettag $0x1  }
0x1: {  	s0 =	stileid.u32  }
0x2: {  	s1 =	smul.u32 $0xA, s0  }
0x3: {  	s2 =	smin.u32 s0, $0xB  }
0x4: {  	s1 =	sadd.s32 s2, s1  }
0x5: {  	p0 =	slt.u32 s0, $0xB;
	s2 =	simm.s32 $0x210;
	s1 =	smul.u32 $0x30, s1  }
0x6: {  	s2 =	simm.s32 @!p0 $0x1E0  }
0x7: {  	s2 =	sadd.s32 s2, s1  }
0x8: {  	s3 =	smin.u32 s2, $0x2010  }
0x9: {  	s7 =	ssub.s32 s3, s1  }
0xa: {  	p0 =	sgt.s32 s7, $0x0  }
0xb: {  	s4 =	rddreg [dreg:$0x0];
	s7 =	simm.s32 @!p0 $0x0  }
0xc: {  	s5 =	rddreg [dreg:$0x1];
	s31 =	smul.u32 $0xAAAB, s7  }
0xd: {  	s9 =	rddreg [dreg:$0x2]  }
0xe: {  	s6 =	simm.s32 $0x1;
	s11 =	simm.s32 $0x3;
	s8 =	sshrl.u32 s31, $0x15  }
0xf: {  	s13 =	simm.s32 $0x0;
	s12 =	simm.s32 $0x0;
	s10 =	smul.u32 $0x30, s8  }
.Ltmp0:
0x10: {  	s9 =	sadd.s32 $0x1200, s9;
	s2 =	rddreg [dreg:$0x3];
	(pc) =	sbr.rel .LBB2_1-.Ltmp0, $4  }
0x11: {  	_ =	strace $0x80000047;
	p0 =	sne.s32 s7, s10;
	s10 =	simm.s32 $0x1  }
0x12: {  	[sflag:s6] =	ssyncpa.u1 $0x0;
	s7 =	simm.s32 $0x2;
	s10 =	simm.s32 @!p0 $0x0  }
0x13: {  	[sflag:s7] =	ssyncpa.u1 $0x0;
	p0 =	por $0x0, $0x0;
	s8 =	sadd.s32 s8, s10  }
0x14: {  	vm0 =	vmmov $0xff;
	vm1 =	vcmask $0x3F20;
	[sflag:s11] =	ssyncpa.u1 $0x0;
	s11 =	smov.u32 s1;
	s10 =	sadd.s32 $0x1, s8  }
.LBB2_9:
0x15: {  	s13 =	sadd.s32 $0x30, s11  }
0x16: {  	s15 =	smov.u32 s1;
	p2 =	slt.s32 s13, s3  }
0x17: {  	s15 =	smov.u32 @p2 s13;
	p2 =	sne.s32 s12, s10  }
.Ltmp1:
0x18: {  	p1 =	slt.u32 s12, $0x2;
	(pc) =	sbr.rel @!p2 .LBB2_10-.Ltmp1, $4  }
0x19: {  	s14 =	simm.s32 @!p1 $0x3  }
0x1a: {  	s16 =	sadd.s32 $0x1, s12;
	_ =	swait.ge @!p1 [sflag:s14], $0xC000  }
0x1b: {  	p0 =	por !p0, !p0;
	s13 =	smov.u32 s11;
	[sflag:s14] =	ssyncset.done @!p1 $0x0  }
0x1c: {  	s12 =	smov.u32 s16;
	s11 =	smov.u32 s15;
	[sflag:s14] =	ssyncadd.s32 @!p1 $0xFFFF4000  }
.LBB2_1:
0x1d: {  	p1 =	sge.u32 s12, s8  }
0x1e: {  	s14 =	sxor.u32 @!p1 $0xFFFFFFFF, s12  }
0x1f: {  	s14 =	sand.u32 @!p1 $0x1, s14  }
0x20: {  	s14 =	smul.u32 @!p1 $0xC0, s14  }
0x21: {  	s31 =	sadd.s32 $0xFFFFFFFF, s12;
	s15 =	sshrl.u32 @!p1 s11, $0x3  }
0x22: {  	s16 =	sand.u32 @!p1 $0x7, s11;
	s15 =	sadd.s32 @!p1 s5, s15;
	s14 =	sshrl.u32 @!p1 s14, $0x2  }
0x23: {  	[tilespmem:s14], [sflag:$0x2] =	stream.linear.gather @!p1 [hbm4b:s15+s16], $0x30, $0x38;
	[tilespmem:$0x18060] =	vst v63  }
0x24: {  	p1 =	sge.u32 s31, s8  }
.Ltmp2:
0x25: {  	_ = 	snop;
	(pc) =	sbr.rel @p1 .LBB2_9-.Ltmp2, $1  }
0x26: {  	_ =	sdelay $0x3  }
0x27: {  	s14 =	simm.s32 $0x1  }
0x28: {  	s14 =	simm.s32 @!p0 $0x0  }
0x29: {  	s14 =	smul.u32 $0x30000, s14  }
0x2a: {  	s15 =	sand.u32 $0x1, s12  }
0x2b: {  	_ =	swait.ge [sflag:s7], $0x30;
	s15 =	smul.u32 $0xC0, s15;
	s14 =	sshrl.u32 s14, $0x2  }
0x2c: {  	s16 =	simm.s32 $0x0;
	[sflag:s7] =	ssyncset.done $0x0;
	s14 =	sor.u32 $0x60, s14  }
0x2d: {  	[sflag:s7] =	ssyncadd.s32 $0xFFFFFFD0;
	s15 =	sshrl.u32 s15, $0x2;
	s17 =	smov.u32 s14  }
.LBB2_3:
0x2e: {  	s18 =	sshll.u32 s16, $0x4  }
0x2f: {  	s18 =	sand.u32 $0x3FFFFFF0, s18  }
0x30: {  	s18 =	sadd.s32 s18, s15  }
0x31: {  	v0 =	vld.msk [tilespmem:s18+$0x0 ss:$0x1], $0xffff;
	_ =	sdelay $0x4  }
0x32: {  	vm2 =	vgt.s32 v0, $0x0  }
0x33: {  	v0 =	vnsel vm2, $0x0, v0  }
0x34: {  	v0 =	vmin.u32 v0, $0x200F  }
0x35: {  	v1 =	vshll.u32 v0, $0x7;
	v0 =	vshll.u32 v0, $0x4  }
0x36: {  	v1 =	vand.u32 $0x1FFC00, v1;
	v0 =	vand.u32 $0x70, v0  }
0x37: {  	v0 =	vor.u32 v0, v1;
	_ =	sdelay $0x3  }
0x38: {  	s19 =	sadd.s32 $0x0, s17  }
0x39: {  	[tilespmem:s19], [sflag:$0x1] =	stream.indirect_vreg.gather [hbm:s4], $0x80, v0, vm0, $0x38;
	[tilespmem:$0x18060] =	vst v63  }
0x3a: {  	s18 =	simm.s32 $0x1000;
	v1 =	vadd.s32 $0x80, v0;
	s19 =	sadd.s32 $0x2000, s19  }
.LBB2_4:
0x3b: {  	[tilespmem:s19], [sflag:$0x1] =	stream.indirect_vreg.gather [hbm:s4], $0x80, v0, vm1, $0x38;
	[tilespmem:$0x18060] =	vst v63  }
0x3c: {  	v0 =	vmov v1;
	s19 =	smov.u32 s18;
	p1 =	sne.s32 s18, $0x7000  }
.Ltmp3:
0x3d: {  	s18 =	sadd.s32 $0x1000, s18;
	(pc) =	sbr.rel @p1 .LBB2_4-.Ltmp3, $4  }
0x3e: {  	s19 =	sshra.s32 s19, $0x2  }
0x3f: {  	s19 =	sadd.s32 s19, s17  }
0x40: {  	[tilespmem:s19], [sflag:$0x1] =	stream.indirect_vreg.gather [hbm:s4], $0x80, v1, vm0, $0x38;
	[tilespmem:$0x18060] =	vst v63  }
0x41: {  	s19 =	sadd.s32 $0x2000, s19;
	v1 =	vadd.s32 $0x80, v1  }
0x42: {  	s16 =	sadd.s32 $0x1, s16  }
0x43: {  	p1 =	sne.s32 s16, $0x3  }
.Ltmp4:
0x44: {  	_ = 	snop;
	(pc) =	sbr.rel @p1 .LBB2_3-.Ltmp4, $3  }
0x45: {  	_ =	sdelay $0x1  }
0x46: {  	[tilespmem:s19], [sflag:$0x1] =	stream.indirect_vreg.gather [hbm:s4], $0x80, v0, vm1, $0x38;
	[tilespmem:$0x18060] =	vst v63  }
0x47: {  	s17 =	sadd.s32 $0x4000, s17  }
0x48: {  	s15 =	sshll.u32 s13, $0x7  }
0x49: {  	s31 =	sshll.u32 s13, $0x4;
	s15 =	sand.u32 $0xFFFFFC00, s15  }
0x4a: {  	_ =	swait.ge [sflag:s6], $0xC000;
	s13 =	sand.u32 $0x70, s31;
	s15 =	sadd.s32 s15, s9  }
0x4b: {  	s16 =	sadd.s32 $0x2000, s14;
	[sflag:s6] =	ssyncset.done $0x0;
	s13 =	sadd.s32 s13, s15  }
0x4c: {  	[sflag:s6] =	ssyncadd.s32 $0xFFFF4000;
	s15 =	simm.s32 $0x400;
	s17 =	sadd.s32 $0x0, s13  }
.LBB2_7:
0x4d: {  	[hbm:s17] =	stream.linear.scatter [tilespmem:s14], [sflag:$0x3], $0x2000, $0x38;
	[tilespmem:$0x18060] =	vst v63  }
0x4e: {  	s17 =	smov.u32 s15;
	s14 =	smov.u32 s16;
	p1 =	sne.s32 s15, $0x1400  }
.Ltmp5:
0x4f: {  	s15 =	sadd.s32 $0x400, s15;
	(pc) =	sbr.rel @p1 .LBB2_7-.Ltmp5, $2  }
0x50: {  	_ =	sdelay $0x2  }
0x51: {  	s16 =	sadd.s32 $0x2000, s16;
	s17 =	sadd.s32 s17, s13  }
.Ltmp6:
0x52: {  	(pc) =	sbr.rel .LBB2_9-.Ltmp6, $2  }
0x53: {  	_ =	sdelay $0x2  }
0x54: {  	[hbm:s17] =	stream.linear.scatter [tilespmem:s14], [sflag:$0x3], $0x2000, $0x38;
	[tilespmem:$0x18060] =	vst v63  }
.LBB2_10:
0x55: {  	_ =	sfence.sel $0x180000  }
0x56: {  	s1 =	simm.s32 $0x2;
	[bflag:$0x0] =	sbarrier.arrive $0xFFFF  }
0x57: {  	s30 =	simm.s32 $0x3;
	[sflag:s1] =	ssyncpa.u1 $0x1  }
0x58: {  	s31 =	simm.s32 $0x1;
	[sflag:s30] =	ssyncpa.u1 $0x1  }
0x59: {  	[sflag:s31] =	ssyncpa.u1 $0x1  }
0x5a: {  	p0 =	sne.s32 s0, $0x0;
	_ =	strace $0x90000047  }
0x5b: {  	s0 =	sadd.s32 @!p0 $0x100000, s2;
	[bflag:$0x2] =	sbarrier.arrive $0xFFFF  }
0x5c: {  	[sflag:s0] =	ssyncadd.tile.s32 @!p0 $0x1;
	_ =	shalt  }
.Lfunc_end2:
_tile_overlayer_lowered:
.L_overlay_start_2:
0x5d: {  	(tag) =	ssettag $0x2  }
0x5e: {  	s0 =	rddreg [dreg:$0x0];
	s2 =	stileid.u32  }
0x5f: {  	s1 =	rddreg [dreg:$0x1];
	p0 =	sne.s32 s2, $0x0  }
0x60: {  	s3 =	rddreg [dreg:$0x2];
	[bflag:$0x3] =	sbarrier.arrive $0xFFFF;
	s2 =	simm.s32 @!p0 $0x1C01  }
0x61: {  	[timem:s3], [sflag:s2] =	dma.local @!p0 [hbm:s0], s1  }
0x62: {  	s0 =	simm.s32 @!p0 $0x1  }
0x63: {  	_ =	swait.ge @!p0 [sflag:s0], s1  }
0x64: {  	s1 =	ssub.s32 @!p0 $0x0, s1;
	[sflag:s0] =	ssyncset.done @!p0 $0x0  }
0x65: {  	[sflag:s0] =	ssyncadd.s32 @!p0 s1  }
0x66: {  	[bflag:$0x3] =	sbarrier.arrive $0xFFFF  }
0x67: {  	_ =	shalt  }

// kernel: sparse-core-data-format-call.cloned.1.call-start
scs
called_computation_lowered:
.L_overlay_start_0:
0x0: {  	s2 =	sld [smem:$0x3FD9]  }
0x1: {  	s3 =	sld [smem:$0x3FFE];
	_ =	sdelay $0x1  }
0x2: {  	s1 =	srdreg.scid  }
0x3: {  	s0 =	sand.u32 $0x1, s1  }
0x4: {  	s18 =	sshll.u32 s0, $0xA;
	s2 =	sadd.s32 s3, s2  }
0x5: {  	s2 =	sadd.s32 s2, s18  }
0x6: {  	[smem:$0x3FBF] =	sst s2  }
0x7: {  	_ = 	snop  }
0x8: {  	(tm) =	ssettm $0x1  }
0x9: {  	s19 =	sld [smem:$0x3FFB];
	_ =	sdelay $0x3  }
0xa: {  	_ =	strace s19  }
0xb: {  	s2 =	sld [smem:$0x3FFC];
	_ =	sdelay $0x3  }
0xc: {  	_ =	strace s2  }
0xd: {  	s2 =	sld [smem:$0x3FFD];
	_ =	sdelay $0x3  }
0xe: {  	_ =	strace s2  }
0xf: {  	_ =	strace $0x8FFFFFFF  }
0x10: {  	s20 =	sld [smem:$0x3FDB];
	_ =	sdelay $0x1  }
0x11: {  	s21 =	simm.s32 $_scs_section_size  }
0x12: {  	s4 =	simm.s32 $_size__tile_overlayer_lowered;
	s5 =	simm.s32 $_tile_overlayer_lowered  }
0x13: {  	s6 =	simm.s32 $0x1BFF;
	s22 =	sshll.u32 s5, $0x1;
	s3 =	sadd.s32 s21, s20  }
0x14: {  	s23 =	simm.s32 $0x0;
	s4 =	sshll.u32 s4, $0x1;
	s5 =	sadd.s32 s22, s3  }
0x15: {  	[timem:s23], [sflag:s6] =	dma.local [hbm:s5], s4  }
0x16: {  	_ =	swait.ge [sflag:s6], s4  }
0x17: {  	s4 =	ssub.s32 $0x0, s4;
	[sflag:s6] =	ssyncset.done $0x0  }
0x18: {  	[sflag:s6] =	ssyncadd.s32 s4;
	_ =	sdelay $0x1  }
0x19: {  	s24 =	simm.s32 $0x1B8B  }
0x1a: {  	_ =	swait.ge [sflag:s24], $0x1  }
0x1b: {  	[sflag:s24] =	ssyncset.done $0x0  }
0x1c: {  	[sflag:s24] =	ssyncadd.s32 $0xFFFFFFFF  }
0x1d: {  	s4 =	sld [smem:$0x0]  }
0x1e: {  	s5 =	sand.u32 $0xFFFFFFFE, s1  }
0x1f: {  	p0 =	sne.s32 s1, s5  }
0x20: {  	s5 =	sshll.u32 @p0 s5, $0xE  }
0x21: {  	s5 =	sadd.s32 @p0 $0x11B8D, s5;
	s6 =	sshll.u32 @p0 s4, $0x11  }
0x22: {  	s5 =	sor.u32 @p0 s6, s5  }
0x23: {  	[sflag:s5] =	ssyncadd.remote.s32 @p0 $0x1;
	_ =	sdelay $0x1  }
0x24: {  	s5 =	simm.s32 @p0 $0x1B8D  }
0x25: {  	_ =	swait.eq @p0 [sflag:s5], $0x1  }
0x26: {  	[sflag:s5] =	ssyncadd.s32 @p0 $0xFFFFFFFF  }
0x27: {  	s6 =	sshll.u32 @!p0 s1, $0xE  }
0x28: {  	s6 =	sor.u32 @!p0 $0x4000, s6;
	s5 =	simm.s32 @!p0 $0x1B8D  }
0x29: {  	s4 =	sshll.u32 @!p0 s4, $0x11;
	s6 =	sadd.s32 @!p0 $0x11B8D, s6;
	_ =	swait.eq @!p0 [sflag:s5], $0x1  }
0x2a: {  	s4 =	sor.u32 @!p0 s4, s6;
	[sflag:s5] =	ssyncadd.s32 @!p0 $0xFFFFFFFF  }
0x2b: {  	s26 =	simm.s32 $0x1B8E;
	s25 =	sld [smem:$0x3FFE];
	[sflag:s4] =	ssyncadd.remote.s32 @!p0 $0x1  }
0x2c: {  	s27 =	simm.s32 $execute0_lowered;
	[smem:$0x3FD2] =	sst s26  }
0x2d: {  	s5 =	sshll.u32 s27, $0x1;
	_ =	strace $0x8000004C;
	[dreg:$0x1] =	wrdreg $0xFFFFFFFF  }
0x2e: {  	s28 =	simm.s32 $_size_execute0_lowered;
	s3 =	sadd.s32 s3, s5;
	[dreg:$0x0] =	wrdreg $0x0  }
0x2f: {  	s5 =	sshll.u32 s28, $0x1;
	[dreg:$0x2] =	wrdreg s3  }
0x30: {  	[dreg:$0x3] =	wrdreg s5  }
0x31: {  	[dreg:$0x4] =	wrdreg $0xC0  }
0x32: {  	_ =	task [dreg:s23], $0x5FFFF  }
0x33: {  	[dreg:$0x1] =	wrdreg $0xFFFFFFFF  }
0x34: {  	[dreg:$0x0] =	wrdreg $0x60  }
0x35: {  	[dreg:$0x2] =	wrdreg s25  }
0x36: {  	[dreg:$0x3] =	wrdreg $0xA  }
0x37: {  	_ =	task.clear_ibuf [dreg:s23], $0x4FFFF;
	_ =	strace $0x9000004C  }
0x38: {  	s29 =	simm.s32 $0xA;
	_ =	strace $0x8000004E  }
0x39: {  	_ =	swait.ge [sflag:s29], $0x1  }
0x3a: {  	[sflag:s29] =	ssyncadd.s32 $0xFFFFFFFF  }
0x3b: {  	_ =	strace $0x9000004E  }
0x3c: {  	_ =	sfence  }
0x3d: {  	s30 =	sld [smem:$0x0];
	_ =	sdelay $0x2  }
0x3e: {  	s31 =	sshll.u32 s1, $0xD;
	s1 =	sshrl.u32 s1, $0x2  }
0x3f: {  	s4 =	sand.u32 $0x4000, s31;
	s1 =	sadd.s32 s1, s30  }
0x40: {  	s0 =	sor.u32 s4, s0;
	s1 =	sshll.u32 s1, $0x11  }
0x41: {  	s0 =	sor.u32 s1, s0  }
0x42: {  	s0 =	sadd.s32 $0x8F2B, s0  }
0x43: {  	[sflag:s0] =	ssyncadd.remote.s32 $0x1  }
0x44: {  	_ =	sfence.sel $0xFFFF  }
0x45: {  	[dreg:$0x0] =	wrdreg $0xFFFFFFFF;
	(pc) =	sbr.abs _section_cstart, $3  }
0x46: {  	[dreg:$0x1] =	wrdreg $0xFFFFFFFF  }
0x47: {  	_ =	task.clear_ibuf [dreg:s23], $0x2FFFF;
	_ =	strace $0x9FFFFFFF  }
0x48: {  	(tm) =	ssettm $0x7FFFFFFF  }
0x49: {  	_ =	shalt  }
tec
execute0_lowered:
.L_overlay_start_1:
0x0: {  	(tag) =	ssettag $0x1  }
0x1: {  	s0 =	srdreg.scid  }
0x2: {  	s1 =	sshll.u32 s0, $0x4  }
0x3: {  	s7 =	rddreg [dreg:$0x0];
	s0 =	stileid.u32;
	s1 =	sand.u32 $0x10, s1  }
0x4: {  	s31 =	simm.s32 $0x2;
	s14 =	simm.s32 $0x0;
	s8 =	sor.u32 s0, s1  }
0x5: {  	s13 =	simm.s32 $0x0;
	s12 =	simm.s32 $0x0;
	s2 =	sshll.u32 s8, $0x5  }
0x6: {  	s3 =	sadd.s32 $0x1200, s7;
	s4 =	sshll.u32 s0, $0x7;
	s2 =	sand.u32 $0x380, s2  }
0x7: {  	s1 =	rddreg [dreg:$0x1];
	s4 =	sand.u32 $0x180, s4;
	s5 =	ssub.s32 $0x400, s2  }
0x8: {  	_ =	strace $0x8000004D;
	s9 =	ssub.s32 $0x2000, s4;
	s6 =	sand.u32 $0x380, s5  }
0x9: {  	s9 =	sshrl.u32 s9, $0x9;
	p0 =	sne.s32 s6, $0x0;
	s6 =	simm.s32 $0x1  }
.Ltmp0:
0xa: {  	s10 =	sshrl.u32 s5, $0xA;
	s6 =	simm.s32 @!p0 $0x0;
	(pc) =	sbr.rel .LBB1_1-.Ltmp0, $4  }
0xb: {  	s9 =	sadd.s32 $0x1, s9;
	s5 =	simm.s32 $0x1;
	s6 =	sadd.s32 s6, s10  }
0xc: {  	s7 =	sadd.s32 $0x101A00, s7;
	[sflag:s5] =	ssyncpa.u1 $0x0;
	s6 =	smul.u32 s9, s6  }
0xd: {  	s8 =	sshll.u32 s8, $0x8;
	s11 =	smov.u32 s4;
	[sflag:s31] =	ssyncpa.u1 $0x0  }
0xe: {  	p0 =	por $0x0, $0x0;
	s10 =	simm.s32 $0x10400;
	s9 =	sadd.s32 $0x1, s6  }
.LBB1_4:
0xf: {  	s14 =	sshrl.u32 s14, $0x3  }
0x10: {  	s20 =	sshll.u32 s13, $0x3;
	s14 =	smul.u32 $0x10400, s14  }
0x11: {  	v5 =	vld [tilespmem:s18+$0xFFFFFFD0];
	[tilespmem:s17+$0x2040 ss:$0x81] =	vst.msk $0xffff, v4;
	s20 =	sand.u32 $0xFFFFFC00, s20  }
0x12: {  	v58 =	vld [tilespmem:s18+$0xFFFFFFE0];
	[tilespmem:s17+$0x2850 ss:$0x81] =	vst.msk $0xffff, v3;
	s30 =	sand.u32 $0x7F, s13;
	s14 =	sadd.s32 s20, s14  }
0x13: {  	s19 =	sshra.s32 s19, $0x2;
	v59 =	vld [tilespmem:s18+$0xFFFFFFF0];
	[tilespmem:s17+$0x3060 ss:$0x81] =	vst.msk $0xffff, v2;
	s13 =	sor.u32 s30, s14  }
0x14: {  	v60 =	vld [tilespmem:s18+$0x0];
	[tilespmem:s17+$0x0 ss:$0x81] =	vst.msk $0xffff, v0;
	s16 =	sadd.s32 s19, s16;
	s31 =	smulhi.u32 $0xFC0FC0FD, s13  }
0x15: {  	v61 =	vld [tilespmem:s18+$0x10];
	[tilespmem:s16+$0x3870 ss:$0x81] =	vst.msk $0xffff, v1  }
0x16: {  	v62 =	vld [tilespmem:s18+$0x20];
	s14 =	smulhi.u32 $0xFC0FC0FD, s14;
	[tilespmem:s16+$0x810 ss:$0x81] =	vst.msk $0xffff, v5;
	s17 =	sshrl.u32 s31, $0xD  }
0x17: {  	v63 =	vld [tilespmem:s18+$0xFFFFFFC0];
	[tilespmem:s16+$0x1020 ss:$0x81] =	vst.msk $0xffff, v58;
	s17 =	smul.u32 $0x2080, s17  }
0x18: {  	[tilespmem:s16+$0x1830 ss:$0x81] =	vst.msk $0xffff, v59;
	s14 =	sshrl.u32 s14, $0xD  }
0x19: {  	[tilespmem:s16+$0x2040 ss:$0x81] =	vst.msk $0xffff, v60;
	s14 =	sand.u32 $0x3FF, s14;
	s13 =	ssub.s32 s13, s17  }
0x1a: {  	[tilespmem:s16+$0x2850 ss:$0x81] =	vst.msk $0xffff, v61;
	s14 =	smul.u32 $0x410, s14;
	s17 =	sshrl.u32 s13, $0x3;
	s13 =	sand.u32 $0x7, s13  }
0x1b: {  	[tilespmem:s16+$0x3060 ss:$0x81] =	vst.msk $0xffff, v62;
	s17 =	sadd.s32 s7, s17;
	s13 =	sshll.u32 s13, $0x12  }
0x1c: {  	[tilespmem:s16+$0x0 ss:$0x81] =	vst.msk $0xffff, v63;
	s14 =	sadd.s32 s14, s17;
	s13 =	sor.u32 $0x400, s13  }
0x1d: {  	[hbm4b:s14+s13] =	stream.strided.scatter [tilespmem:s15], [sflag:$0x2], $0x4000, s10, s13, $0x20;
	[tilespmem:$0x10100] =	vst v63  }
.LBB1_5:
0x1e: {  	s15 =	sadd.s32 $0x200, s11  }
0x1f: {  	p2 =	sgt.s32 s15, $0x200F  }
0x20: {  	s15 =	smov.u32 @p2 s4;
	p2 =	sne.s32 s12, s9  }
.Ltmp1:
0x21: {  	p1 =	slt.u32 s12, $0x2;
	(pc) =	sbr.rel @!p2 .LBB1_6-.Ltmp1, $4  }
0x22: {  	s14 =	simm.s32 @!p1 $0x2  }
0x23: {  	s16 =	sadd.s32 $0x1, s12;
	s13 =	smov.u32 s11;
	_ =	swait.ge @!p1 [sflag:s14], $0x4000  }
0x24: {  	p0 =	por !p0, !p0;
	s12 =	smov.u32 s16;
	[sflag:s14] =	ssyncset.done @!p1 $0x0  }
0x25: {  	s11 =	smov.u32 s15;
	[sflag:s14] =	ssyncadd.s32 @!p1 $0xFFFFC000;
	s14 =	smov.u32 s2  }
.LBB1_1:
0x26: {  	p1 =	sge.u32 s12, s6  }
0x27: {  	s15 =	sshll.u32 @!p1 s11, $0xA  }
0x28: {  	s15 =	sand.u32 @!p1 $0xFFFFE000, s15  }
0x29: {  	s17 =	smov.u32 s11;
	p2 =	sgt.s32 @!p1 s11, $0x1F90;
	s15 =	sor.u32 @!p1 s8, s15  }
0x2a: {  	s18 =	sshra.s32 @!p1 s11, $0x1F;
	p2 =	por !p2, p1;
	s15 =	sshrl.u32 @!p1 s15, $0xA  }
0x2b: {  	s18 =	sand.u32 @!p1 s18, s11;
	s17 =	simm.s32 @p2 $0x1F90;
	s16 =	smulhi.u32 @!p1 $0x7FC02, s15  }
0x2c: {  	s31 =	sadd.s32 $0xFFFFFFFF, s12;
	s19 =	sxor.u32 @!p1 $0xFFFFFFFF, s12;
	s17 =	ssub.s32 @!p1 s17, s18  }
0x2d: {  	s18 =	sshll.u32 @!p1 s19, $0xE;
	s17 =	sadd.s32 @!p1 $0xFFFFE070, s17;
	s16 =	smul.u32 @!p1 $0x2010, s16  }
0x2e: {  	s19 =	simm.s32 @!p1 $0x2000;
	s18 =	sand.u32 @!p1 $0x4000, s18;
	p2 =	sgt.s32 @!p1 s17, $0x7F  }
0x2f: {  	s15 =	ssub.s32 @!p1 s15, s16;
	s16 =	sshll.u32 @!p1 s17, $0x7;
	s17 =	sshll.u32 @!p1 s11, $0x4  }
0x30: {  	p2 =	por !p2, p1;
	s16 =	ssub.s32 @!p1 $0x4000, s16;
	s17 =	sand.u32 @!p1 $0x70, s17  }
0x31: {  	s15 =	sshll.u32 @!p1 s15, $0x7;
	s16 =	sand.u32 @!p1 $0x3FFFFF80, s16;
	s17 =	sadd.s32 @!p1 s3, s17  }
0x32: {  	s16 =	simm.s32 @!p2 $0x0;
	s15 =	sadd.s32 @!p1 s15, s17;
	s17 =	simm.s32 @!p1 $0x400  }
0x33: {  	[tilespmem:s18], [sflag:$0x1] =	stream.strided.gather @!p1 [hbm4b:s15+s17], s16, s19, s17, $0x38;
	[tilespmem:$0x10100] =	vst v63  }
0x34: {  	p1 =	sge.u32 s31, s6  }
.Ltmp2:
0x35: {  	_ = 	snop;
	(pc) =	sbr.rel @p1 .LBB1_5-.Ltmp2, $1  }
0x36: {  	_ =	sdelay $0x3  }
0x37: {  	p1 =	sgt.s32 s13, $0x1F90;
	s15 =	smov.u32 s13;
	s16 =	sshra.s32 s13, $0x1F  }
0x38: {  	s15 =	simm.s32 @!p1 $0x1F90;
	s16 =	sand.u32 s16, s13  }
0x39: {  	s15 =	ssub.s32 s15, s16  }
0x3a: {  	s15 =	sadd.s32 $0xFFFFE070, s15  }
0x3b: {  	s29 =	sshll.u32 s15, $0x7  }
0x3c: {  	s16 =	ssub.s32 $0x4000, s29  }
0x3d: {  	p1 =	sgt.s32 s15, $0x7F;
	s15 =	sand.u32 $0x3FFFFF80, s16  }
0x3e: {  	s16 =	simm.s32 $0x1;
	s15 =	simm.s32 @p1 $0x0  }
0x3f: {  	s16 =	simm.s32 @!p0 $0x0;
	_ =	swait.ge [sflag:s5], s15  }
0x40: {  	s17 =	sshll.u32 s16, $0xE;
	s15 =	ssub.s32 $0x0, s15;
	[sflag:s5] =	ssyncset.done $0x0  }
0x41: {  	s18 =	sor.u32 $0x40, s17;
	[sflag:s5] =	ssyncadd.s32 s15  }
0x42: {  	s30 =	smul.u32 $0x10200, s16;
	v0 =	vld [tilespmem:s18+$0x30]  }
0x43: {  	v1 =	vld [tilespmem:s18+$0xFFFFFFD0]  }
0x44: {  	s15 =	sshrl.u32 s30, $0x2;
	v5 =	vld [tilespmem:s18+$0xFFFFFFE0]  }
0x45: {  	s16 =	sor.u32 $0x8000, s15;
	v6 =	vld [tilespmem:s18+$0xFFFFFFF0]  }
0x46: {  	s31 =	sand.u32 $0x1, s12;
	v4 =	vld [tilespmem:s18+$0x0];
	s17 =	sadd.s32 $0x0, s16  }
0x47: {  	s15 =	smul.u32 $0x10200, s31;
	v3 =	vld [tilespmem:s18+$0x10];
	[tilespmem:s17+$0x3870 ss:$0x81] =	vst.msk $0xffff, v0  }
0x48: {  	v2 =	vld [tilespmem:s18+$0x20];
	[tilespmem:s17+$0x810 ss:$0x81] =	vst.msk $0xffff, v1  }
0x49: {  	s15 =	sshrl.u32 s15, $0x2;
	v0 =	vld [tilespmem:s18+$0xFFFFFFC0];
	[tilespmem:s17+$0x1020 ss:$0x81] =	vst.msk $0xffff, v5;
	s18 =	sadd.s32 $0x80, s18  }
0x4a: {  	s19 =	simm.s32 $0x4;
	s20 =	simm.s32 $0x8;
	s15 =	sor.u32 $0x8000, s15;
	[tilespmem:s17+$0x1830 ss:$0x81] =	vst.msk $0xffff, v6;
	v1 =	vld [tilespmem:s18+$0x30]  }
.LBB1_3:
0x4b: {  	p1 =	sne.s32 s20, $0x1FC;
	v5 =	vld [tilespmem:s18+$0xFFFFFFD0];
	[tilespmem:s17+$0x2040 ss:$0x81] =	vst.msk $0xffff, v4  }
0x4c: {  	v6 =	vld [tilespmem:s18+$0xFFFFFFE0];
	[tilespmem:s17+$0x2850 ss:$0x81] =	vst.msk $0xffff, v3  }
0x4d: {  	s21 =	sshra.s32 s19, $0x2;
	s19 =	smov.u32 s20;
	v7 =	vld [tilespmem:s18+$0xFFFFFFF0];
	[tilespmem:s17+$0x3060 ss:$0x81] =	vst.msk $0xffff, v2  }
.Ltmp3:
0x4e: {  	v4 =	vld [tilespmem:s18+$0x0];
	[tilespmem:s17+$0x0 ss:$0x81] =	vst.msk $0xffff, v0;
	s17 =	sadd.s32 s21, s16;
	(pc) =	sbr.rel @p1 .LBB1_3-.Ltmp3, $4  }
0x4f: {  	v3 =	vld [tilespmem:s18+$0x10];
	[tilespmem:s17+$0x3870 ss:$0x81] =	vst.msk $0xffff, v1  }
0x50: {  	[tilespmem:s17+$0x810 ss:$0x81] =	vst.msk $0xffff, v5;
	v2 =	vld [tilespmem:s18+$0x20]  }
0x51: {  	v0 =	vld [tilespmem:s18+$0xFFFFFFC0];
	[tilespmem:s17+$0x1020 ss:$0x81] =	vst.msk $0xffff, v6;
	s18 =	sadd.s32 $0x80, s18  }
0x52: {  	s20 =	sadd.s32 $0x4, s20;
	v1 =	vld [tilespmem:s18+$0x30];
	[tilespmem:s17+$0x1830 ss:$0x81] =	vst.msk $0xffff, v7  }
.Ltmp4:
0x53: {  	_ = 	snop;
	(pc) =	sbr.rel .LBB1_4-.Ltmp4, $1  }
0x54: {  	_ =	sdelay $0x3  }
.LBB1_6:
0x55: {  	_ =	sfence.sel $0x180000  }
0x56: {  	s2 =	simm.s32 $0x1;
	[bflag:$0x0] =	sbarrier.arrive $0xFFFF  }
0x57: {  	s31 =	simm.s32 $0x2;
	[sflag:s2] =	ssyncpa.u1 $0x1  }
0x58: {  	[sflag:s31] =	ssyncpa.u1 $0x1  }
0x59: {  	p0 =	sne.s32 s0, $0x0;
	_ =	strace $0x9000004D  }
0x5a: {  	s0 =	sadd.s32 @!p0 $0x100000, s1;
	[bflag:$0x2] =	sbarrier.arrive $0xFFFF  }
0x5b: {  	[sflag:s0] =	ssyncadd.tile.s32 @!p0 $0x1;
	_ =	shalt  }
.Lfunc_end1:
_tile_overlayer_lowered:
.L_overlay_start_2:
0x5c: {  	(tag) =	ssettag $0x2  }
0x5d: {  	s0 =	rddreg [dreg:$0x0];
	s2 =	stileid.u32  }
0x5e: {  	s1 =	rddreg [dreg:$0x1];
	p0 =	sne.s32 s2, $0x0  }
0x5f: {  	s3 =	rddreg [dreg:$0x2];
	[bflag:$0x3] =	sbarrier.arrive $0xFFFF;
	s2 =	simm.s32 @!p0 $0x1C01  }
0x60: {  	[timem:s3], [sflag:s2] =	dma.local @!p0 [hbm:s0], s1  }
0x61: {  	s0 =	simm.s32 @!p0 $0x1  }
0x62: {  	_ =	swait.ge @!p0 [sflag:s0], s1  }
0x63: {  	s1 =	ssub.s32 @!p0 $0x0, s1;
	[sflag:s0] =	ssyncset.done @!p0 $0x0  }
0x64: {  	[sflag:s0] =	ssyncadd.s32 @!p0 s1  }
0x65: {  	[bflag:$0x3] =	sbarrier.arrive $0xFFFF  }
0x66: {  	_ =	shalt  }

</sc_bundles>
